<compile_context>
chip_gen: v7x
topology: tpu7x:2x2x1
jax: 0.10.2.dev20260603
libtpu: 0.0.44.dev20260713+nightly
codegen_flags: <defaults>
</compile_context>

<pallas_src>
import functools

import numpy as _np

import jax
import jax.numpy as jnp
from jax import lax
from jax.experimental import pallas as pl
from jax.experimental.pallas import tpu as pltpu
from jax.experimental.pallas import tpu_sc as plsc

N = 10000
E = 160000
D = 128
NW = 32
PER_W = E // NW
CHUNK = 128
K = (PER_W + CHUNK - 1) // CHUNK
PW = K * CHUNK


def _sc_body(src_h, dst_h, pos_h, valid_h, zeros_h, s_out,
             pos_v, src_v, dst_v, dst2_v, e0_v, valid_v, s_sh, sem_s):
    cid = lax.axis_index("c")
    sid = lax.axis_index("s")
    wid = cid * jnp.int32(16) + sid
    base = wid * jnp.int32(PER_W)

    @pl.when(sid == 0)
    def _init():
        pltpu.sync_copy(zeros_h, s_sh)

    pltpu.sync_copy(pos_h, pos_v)
    pltpu.sync_copy(valid_h, valid_v)
    pltpu.sync_copy(src_h.at[pl.ds(base, PW)], src_v)
    pltpu.sync_copy(dst_h.at[pl.ds(base, PW)], dst_v)

    plsc.subcore_barrier()

    @pl.loop(jnp.int32(0), jnp.int32(K))
    def _compute(j):
        i1 = jnp.int32(1)
        i2 = jnp.int32(2)

        for i in range(CHUNK // 16):
            sl = pl.ds(i * 16, 16)
            fl = pl.ds(j * jnp.int32(CHUNK) + jnp.int32(i * 16), 16)
            dvals = dst_v[fl]
            s_idx = src_v[fl] * jnp.int32(3)
            d_idx = dvals * jnp.int32(3)
            sx = plsc.load_gather(pos_v, [s_idx])
            sy = plsc.load_gather(pos_v, [s_idx + i1])
            sz = plsc.load_gather(pos_v, [s_idx + i2])
            dx = plsc.load_gather(pos_v, [d_idx])
            dy = plsc.load_gather(pos_v, [d_idx + i1])
            dz = plsc.load_gather(pos_v, [d_idx + i2])
            rx = dx - sx
            ry = dy - sy
            rz = dz - sz
            e0_v[j, sl] = (rx * rx + ry * ry + rz * rz) * valid_v[j, sl]
            dst2_v[j, sl] = dvals

        pltpu.async_copy(e0_v.at[j], s_sh.at[dst2_v.at[j]], sem_s, add=True)

    @pl.loop(jnp.int32(0), jnp.int32(K))
    def _drain(j):
        pltpu.make_async_copy(e0_v.at[j], s_sh.at[dst2_v.at[j]],
                              sem_s).wait()

    plsc.subcore_barrier()

    @pl.when(sid == 0)
    def _writeback():
        pltpu.sync_copy(s_sh, s_out.at[cid])


@functools.cache
def _sc_segment_sums():
  return pl.kernel(
    _sc_body,
    out_type=jax.ShapeDtypeStruct((2, N), jnp.float32),
    mesh=plsc.VectorSubcoreMesh(core_axis_name="c", subcore_axis_name="s",
                                num_cores=2, num_subcores=16),
    scratch_types=[
        pltpu.VMEM((N * 3,), jnp.float32),
        pltpu.VMEM((PW,), jnp.int32),
        pltpu.VMEM((PW,), jnp.int32),
        pltpu.VMEM((K, CHUNK), jnp.int32),
        pltpu.VMEM((K, CHUNK), jnp.float32),
        pltpu.VMEM((K, CHUNK), jnp.float32),
        pltpu.VMEM_SHARED((N,), jnp.float32),
        pltpu.SemaphoreType.DMA,
    ],
    compiler_params=pltpu.CompilerParams(needs_layout_passes=False),
  )


def _tc_body(xs_ref, agg_ref, w_ref, v_ref, out_ref):
    xs = xs_ref[...]
    for l in range(2):
        aggrow = agg_ref[0, pl.ds(0, 1), :]
        w1b = v_ref[l, pl.ds(0, 1), :]
        b1 = v_ref[l, pl.ds(1, 1), :]
        b2 = v_ref[l, pl.ds(2, 1), :]
        b3 = v_ref[l, pl.ds(3, 1), :]
        g = v_ref[l, pl.ds(4, 1), :]
        bt = v_ref[l, pl.ds(5, 1), :]
        h = jnp.dot(xs, w_ref[l, 0], preferred_element_type=jnp.float32)
        h = h + lax.dot_general(aggrow, w1b, (((0,), (0,)), ((), ())),
                                preferred_element_type=jnp.float32)
        h = jnp.maximum(h + b1, 0.0)
        h = jnp.dot(h, w_ref[l, 1], preferred_element_type=jnp.float32)
        h = jnp.maximum(h + b2, 0.0)
        h = jnp.dot(h, w_ref[l, 2], preferred_element_type=jnp.float32) + b3
        mu = jnp.mean(h, axis=-1, keepdims=True)
        hc = h - mu
        var = jnp.mean(hc * hc, axis=-1, keepdims=True)
        h = hc / jnp.sqrt(var + 1e-5) * g + bt
        xs = xs + h
    out_ref[...] = xs


_I0 = _np.int32(0)


def _node_mlp(xs, agg12, wstk, vstk, *, interpret=False):
    R = 2000
    grid = (N // R,)
    return pl.pallas_call(
        _tc_body,
        grid=grid,
        in_specs=[
            pl.BlockSpec((R, D), lambda i: (i, _I0)),
            pl.BlockSpec((1, 1, R), lambda i: (i, _I0, _I0)),
            pl.BlockSpec((2, 3, D, D), lambda i: (_I0, _I0, _I0, _I0)),
            pl.BlockSpec((2, 6, D), lambda i: (_I0, _I0, _I0)),
        ],
        out_specs=pl.BlockSpec((R, D), lambda i: (i, _I0)),
        out_shape=jax.ShapeDtypeStruct((N, D), jnp.float32),
        interpret=interpret,
    )(xs, agg12, wstk, vstk)


def kernel(x, pos, edge_index, params):
    xs = x[..., 0].astype(jnp.float32)
    src = jnp.pad(edge_index[0].astype(jnp.int32), (0, CHUNK))
    dst = jnp.pad(edge_index[1].astype(jnp.int32), (0, CHUNK))
    pos_flat = pos.astype(jnp.float32).reshape(-1)
    zeros = jnp.zeros((N,), jnp.float32)
    lane = jnp.arange(PW, dtype=jnp.int32)
    valid = jnp.where(lane < PER_W, 1.0, 0.0).astype(jnp.float32).reshape(
        K, CHUNK)

    sp = _sc_segment_sums()(src, dst, pos_flat, valid, zeros)
    R = 2000
    agg12 = (sp[0] + sp[1]).reshape(N // R, 1, R)

    wstk = jnp.stack([
        jnp.stack([p['nW'][0][:D], p['nW'][1], p['nW'][2]]) for p in params])
    vstk = jnp.stack([
        jnp.stack([p['nW'][0][D], p['nb'][0], p['nb'][1], p['nb'][2],
                   p['ng'], p['nbt']]) for p in params])

    out = _node_mlp(xs, agg12, wstk, vstk)
    return out[..., None]

# --- scband reference (transcript-rebuilt; emitter-appended) ---
"""Pipeline reference for scband-mesh-graph-net-79645873537270 (READ-ONLY COPY).

The authoritative reference and input builder live on the scoring server;
editing this copy changes nothing except your own understanding.
"""

import jax
jax.config.update('jax_enable_x64', True)
import jax.numpy as jnp
import numpy as np

N = 10000
E = 160000
D = 128
H = 128
L = 2
POS_DIM = 3


def _mlp_params(key, dims):
    Ws, bs = [], []
    for i in range(len(dims) - 1):
        key, k = jax.random.split(key)
        Ws.append(jax.random.normal(k, (dims[i], dims[i + 1]), dtype=jnp.float32) / np.sqrt(dims[i]).astype(np.float32))
        bs.append(jnp.zeros((dims[i + 1],), dtype=jnp.float32))
    return Ws, bs, key


def setup_inputs(seed: int = 0):
    key = jax.random.key(seed)
    k1, k2, k3, key = jax.random.split(key, 4)
    x = jax.random.normal(k1, (N, D, 1), dtype=jnp.float32)
    pos = jax.random.normal(k2, (N, POS_DIM), dtype=jnp.float32)
    edge_index = jax.random.randint(k3, (2, E), 0, N, dtype=jnp.int64)
    params = []
    for _ in range(L):
        eW, eb, key = _mlp_params(key, [2 * D + 1, H, H, 1])
        nW, nb, key = _mlp_params(key, [D + 1, H, H, D])
        params.append({
            'eW': eW, 'eb': eb,
            'eg': jnp.ones((1,), jnp.float32), 'ebt': jnp.zeros((1,), jnp.float32),
            'nW': nW, 'nb': nb,
            'ng': jnp.ones((D,), jnp.float32), 'nbt': jnp.zeros((D,), jnp.float32),
        })
    return {'x': x, 'pos': pos, 'edge_index': edge_index, 'params': params}


def _mlp(h, Ws, bs):
    for W, b in zip(Ws[:-1], bs[:-1]):
        h = jax.nn.relu(h @ W + b)
    return h @ Ws[-1] + bs[-1]


def _ln(h, g, b):
    mu = jnp.mean(h, axis=-1, keepdims=True)
    var = jnp.var(h, axis=-1, keepdims=True)
    return (h - mu) / jnp.sqrt(var + 1e-5) * g + b


def _forward(x, pos, params, edge_index):
    xs = x.squeeze(-1)
    src = edge_index[0]
    dst = edge_index[1]
    rel = pos[dst] - pos[src]
    e = jnp.sum(rel ** 2, axis=-1, keepdims=True)
    n_nodes = xs.shape[0]
    for p in params:
        # edge processor: MLP(concat(x_src, x_dst, e)) + LayerNorm, residual
        e_in = jnp.concatenate([xs[src], xs[dst], e], axis=-1)
        e = e + _ln(_mlp(e_in, p['eW'], p['eb']), p['eg'], p['ebt'])
        # node processor: scatter-add edge messages to dst, MLP + LayerNorm, residual
        agg = jax.ops.segment_sum(e, dst, num_segments=n_nodes)
        n_in = jnp.concatenate([xs, agg], axis=-1)
        xs = xs + _ln(_mlp(n_in, p['nW'], p['nb']), p['ng'], p['nbt'])
    return xs[..., None]


def reference(x, pos, edge_index, params):
    return _forward(x, pos, params, edge_index)

if __name__ == "__main__":
    import jax
    _d = setup_inputs()
    print(jax.jit(kernel)(*tuple(_d.values())))

</pallas_src>

<mosaic_0001>
#map = affine_map<(d0, d1) -> (0)>
#map1 = affine_map<(d0, d1) -> (0, 0)>
module attributes {stable_mosaic.version = 14 : i64} {
  func.func @_sc_body(%arg0: i32, %arg1: i32, %arg2: memref<160128xi32, #tpu.memory_space<hbm>>, %arg3: memref<160128xi32, #tpu.memory_space<hbm>>, %arg4: memref<30000xf32, #tpu.memory_space<hbm>>, %arg5: memref<40x128xf32, #tpu.memory_space<hbm>>, %arg6: memref<10000xf32, #tpu.memory_space<hbm>>, %arg7: memref<2x10000xf32, #tpu.memory_space<hbm>>, %arg8: memref<30000xf32, #tpu.memory_space<vmem>>, %arg9: memref<5120xi32, #tpu.memory_space<vmem>>, %arg10: memref<5120xi32, #tpu.memory_space<vmem>>, %arg11: memref<40x128xi32, #tpu.memory_space<vmem>>, %arg12: memref<40x128xf32, #tpu.memory_space<vmem>>, %arg13: memref<40x128xf32, #tpu.memory_space<vmem>>, %arg14: memref<10000xf32, #tpu.memory_space<vmem_shared>>, %arg15: memref<!tpu.dma_semaphore, #tpu.memory_space<semaphore_mem>>) attributes {dimension_semantics = [#tpu.dimension_semantics<core_parallel>, #tpu.dimension_semantics<subcore_parallel>], iteration_bounds = array<i64: 2, 16>, scalar_prefetch = 0 : i64, scratch_operands = 8 : i64, tpu.core_type = #tpu.core_type<sc_vector_subcore>, window_params = [{transform_indices = #map}, {transform_indices = #map}, {transform_indices = #map}, {transform_indices = #map1}, {transform_indices = #map}, {transform_indices = #map1}]} {
    %mul3A = arith.constant 16 : i32
    %mul3A_0 = arith.muli %arg0, %mul3A : i32
    %add3A = arith.addi %mul3A_0, %arg1 : i32
    %mul3A_1 = arith.constant 5000 : i32
    %mul3A_2 = arith.muli %add3A, %mul3A_1 : i32
    %eq3A = arith.constant 0 : i32
    %eq3A_3 = arith.cmpi eq, %arg1, %eq3A : i32
    %convert_element_type3A = arith.extui %eq3A_3 : i1 to i32
    %cond3A = arith.constant 0 : i32
    %cond3A_4 = arith.cmpi ne, %convert_element_type3A, %cond3A : i32
    scf.if %cond3A_4 {
      "tpu.region"() ({
        %run_scoped3A = tpu.sem_alloc : memref<!tpu.dma_semaphore, #tpu.memory_space<semaphore_mem>>
        tpu.enqueue_dma source(%arg6 : memref<10000xf32, #tpu.memory_space<hbm>>) target(%arg14 : memref<10000xf32, #tpu.memory_space<vmem_shared>>) target_semaphore(%run_scoped3A : memref<!tpu.dma_semaphore, #tpu.memory_space<semaphore_mem>>)
        tpu.wait_dma2 semaphore(%run_scoped3A : memref<!tpu.dma_semaphore, #tpu.memory_space<semaphore_mem>>) src(%arg6 : memref<10000xf32, #tpu.memory_space<hbm>>) dst(%arg14 : memref<10000xf32, #tpu.memory_space<vmem_shared>>)
        tpu.yield
      }) : () -> ()
    } else {
    }
    "tpu.region"() ({
      %run_scoped3A = tpu.sem_alloc : memref<!tpu.dma_semaphore, #tpu.memory_space<semaphore_mem>>
      tpu.enqueue_dma source(%arg4 : memref<30000xf32, #tpu.memory_space<hbm>>) target(%arg8 : memref<30000xf32, #tpu.memory_space<vmem>>) target_semaphore(%run_scoped3A : memref<!tpu.dma_semaphore, #tpu.memory_space<semaphore_mem>>)
      tpu.wait_dma2 semaphore(%run_scoped3A : memref<!tpu.dma_semaphore, #tpu.memory_space<semaphore_mem>>) src(%arg4 : memref<30000xf32, #tpu.memory_space<hbm>>) dst(%arg8 : memref<30000xf32, #tpu.memory_space<vmem>>)
      tpu.yield
    }) : () -> ()
    "tpu.region"() ({
      %run_scoped3A = tpu.sem_alloc : memref<!tpu.dma_semaphore, #tpu.memory_space<semaphore_mem>>
      tpu.enqueue_dma source(%arg5 : memref<40x128xf32, #tpu.memory_space<hbm>>) target(%arg13 : memref<40x128xf32, #tpu.memory_space<vmem>>) target_semaphore(%run_scoped3A : memref<!tpu.dma_semaphore, #tpu.memory_space<semaphore_mem>>)
      tpu.wait_dma2 semaphore(%run_scoped3A : memref<!tpu.dma_semaphore, #tpu.memory_space<semaphore_mem>>) src(%arg5 : memref<40x128xf32, #tpu.memory_space<hbm>>) dst(%arg13 : memref<40x128xf32, #tpu.memory_space<vmem>>)
      tpu.yield
    }) : () -> ()
    "tpu.region"() ({
      %run_scoped3A = tpu.sem_alloc : memref<!tpu.dma_semaphore, #tpu.memory_space<semaphore_mem>>
      %dma_start3A = tpu.memref_slice %arg2[%mul3A_2] : memref<160128xi32, #tpu.memory_space<hbm>> -> memref<5120xi32, #tpu.memory_space<hbm>>
      %dma_start3A_48 = tpu.memref_slice %arg2[%mul3A_2] : memref<160128xi32, #tpu.memory_space<hbm>> -> memref<5120xi32, #tpu.memory_space<hbm>>
      tpu.enqueue_dma source(%dma_start3A_48 : memref<5120xi32, #tpu.memory_space<hbm>>) target(%arg9 : memref<5120xi32, #tpu.memory_space<vmem>>) target_semaphore(%run_scoped3A : memref<!tpu.dma_semaphore, #tpu.memory_space<semaphore_mem>>)
      %dma_wait3A = tpu.memref_slice %arg2[%mul3A_2] : memref<160128xi32, #tpu.memory_space<hbm>> -> memref<5120xi32, #tpu.memory_space<hbm>>
      %dma_wait3A_49 = tpu.memref_slice %arg2[%mul3A_2] : memref<160128xi32, #tpu.memory_space<hbm>> -> memref<5120xi32, #tpu.memory_space<hbm>>
      tpu.wait_dma2 semaphore(%run_scoped3A : memref<!tpu.dma_semaphore, #tpu.memory_space<semaphore_mem>>) src(%dma_wait3A_49 : memref<5120xi32, #tpu.memory_space<hbm>>) dst(%arg9 : memref<5120xi32, #tpu.memory_space<vmem>>)
      tpu.yield
    }) : () -> ()
    "tpu.region"() ({
      %run_scoped3A = tpu.sem_alloc : memref<!tpu.dma_semaphore, #tpu.memory_space<semaphore_mem>>
      %dma_start3A = tpu.memref_slice %arg3[%mul3A_2] : memref<160128xi32, #tpu.memory_space<hbm>> -> memref<5120xi32, #tpu.memory_space<hbm>>
      %dma_start3A_48 = tpu.memref_slice %arg3[%mul3A_2] : memref<160128xi32, #tpu.memory_space<hbm>> -> memref<5120xi32, #tpu.memory_space<hbm>>
      tpu.enqueue_dma source(%dma_start3A_48 : memref<5120xi32, #tpu.memory_space<hbm>>) target(%arg10 : memref<5120xi32, #tpu.memory_space<vmem>>) target_semaphore(%run_scoped3A : memref<!tpu.dma_semaphore, #tpu.memory_space<semaphore_mem>>)
      %dma_wait3A = tpu.memref_slice %arg3[%mul3A_2] : memref<160128xi32, #tpu.memory_space<hbm>> -> memref<5120xi32, #tpu.memory_space<hbm>>
      %dma_wait3A_49 = tpu.memref_slice %arg3[%mul3A_2] : memref<160128xi32, #tpu.memory_space<hbm>> -> memref<5120xi32, #tpu.memory_space<hbm>>
      tpu.wait_dma2 semaphore(%run_scoped3A : memref<!tpu.dma_semaphore, #tpu.memory_space<semaphore_mem>>) src(%dma_wait3A_49 : memref<5120xi32, #tpu.memory_space<hbm>>) dst(%arg10 : memref<5120xi32, #tpu.memory_space<vmem>>)
      tpu.yield
    }) : () -> ()
    %barrier3A = arith.constant 0 : index
    tpu.barrier barrier_id(%barrier3A)
    %sub3A = arith.constant 40 : i32
    %sub3A_5 = arith.constant 0 : i32
    %sub3A_6 = arith.subi %sub3A, %sub3A_5 : i32
    %sub3A_7 = arith.constant 1 : i32
    %sub3A_8 = arith.constant 1 : i32
    %sub3A_9 = arith.subi %sub3A_7, %sub3A_8 : i32
    %add3A_10 = arith.addi %sub3A_6, %sub3A_9 : i32
    %div3A = arith.constant 1 : i32
    %div3A_11 = arith.divsi %add3A_10, %div3A : i32
    %while3A = arith.constant 1 : i32
    %while3A_12 = arith.constant 0 : i32
    %while3A_13 = arith.constant 0 : i32
    %while3A_14 = arith.subi %div3A_11, %while3A_13 : i32
    %while3A_15 = arith.addi %while3A_13, %while3A_14 : i32
    %while3A_16 = arith.constant 1 : i32
    %while3A_17 = arith.divsi %while3A_14, %while3A_16 : i32
    %while3A_18 = arith.muli %while3A_17, %while3A_16 : i32
    %while3A_19 = arith.addi %while3A_13, %while3A_18 : i32
    %while3A_20 = arith.constant 1 : i32
    scf.for %while3A_48 = %while3A_13 to %while3A_19 step %while3A_20  : i32 {
      %mul3A_49 = arith.muli %while3A_48, %while3A : i32
      %add3A_50 = arith.addi %while3A_12, %mul3A_49 : i32
      %mul3A_51 = arith.constant 128 : i32
      %mul3A_52 = arith.muli %add3A_50, %mul3A_51 : i32
      %add3A_53 = arith.constant 0 : i32
      %add3A_54 = arith.addi %mul3A_52, %add3A_53 : i32
      %get3A = arith.index_cast %add3A_54 : i32 to index
      %get3A_55 = tpu.vector_load %arg10[%get3A] {strides = array<i32>} : memref<5120xi32, #tpu.memory_space<vmem>>, vector<16xi32>,
      %get3A_56 = arith.index_cast %add3A_54 : i32 to index
      %get3A_57 = tpu.vector_load %arg9[%get3A_56] {strides = array<i32>} : memref<5120xi32, #tpu.memory_space<vmem>>, vector<16xi32>,
      %mul3A_58 = arith.constant 3 : i32
      %mul3A_59 = vector.broadcast %mul3A_58 : i32 to vector<16xi32>
      %mul3A_60 = arith.muli %get3A_57, %mul3A_59 : vector<16xi32>
      %mul3A_61 = arith.constant 3 : i32
      %mul3A_62 = vector.broadcast %mul3A_61 : i32 to vector<16xi32>
      %mul3A_63 = arith.muli %get3A_55, %mul3A_62 : vector<16xi32>
      %gather3A = tpu.vector_load_idx %arg8[%mul3A_60] : memref<30000xf32, #tpu.memory_space<vmem>>[vector<16xi32>], vector<16xf32>,
      %add3A_64 = arith.constant 1 : i32
      %add3A_65 = vector.broadcast %add3A_64 : i32 to vector<16xi32>
      %add3A_66 = arith.addi %mul3A_60, %add3A_65 : vector<16xi32>
      %gather3A_67 = tpu.vector_load_idx %arg8[%add3A_66] : memref<30000xf32, #tpu.memory_space<vmem>>[vector<16xi32>], vector<16xf32>,
      %add3A_68 = arith.constant 2 : i32
      %add3A_69 = vector.broadcast %add3A_68 : i32 to vector<16xi32>
      %add3A_70 = arith.addi %mul3A_60, %add3A_69 : vector<16xi32>
      %gather3A_71 = tpu.vector_load_idx %arg8[%add3A_70] : memref<30000xf32, #tpu.memory_space<vmem>>[vector<16xi32>], vector<16xf32>,
      %gather3A_72 = tpu.vector_load_idx %arg8[%mul3A_63] : memref<30000xf32, #tpu.memory_space<vmem>>[vector<16xi32>], vector<16xf32>,
      %add3A_73 = arith.constant 1 : i32
      %add3A_74 = vector.broadcast %add3A_73 : i32 to vector<16xi32>
      %add3A_75 = arith.addi %mul3A_63, %add3A_74 : vector<16xi32>
      %gather3A_76 = tpu.vector_load_idx %arg8[%add3A_75] : memref<30000xf32, #tpu.memory_space<vmem>>[vector<16xi32>], vector<16xf32>,
      %add3A_77 = arith.constant 2 : i32
      %add3A_78 = vector.broadcast %add3A_77 : i32 to vector<16xi32>
      %add3A_79 = arith.addi %mul3A_63, %add3A_78 : vector<16xi32>
      %gather3A_80 = tpu.vector_load_idx %arg8[%add3A_79] : memref<30000xf32, #tpu.memory_space<vmem>>[vector<16xi32>], vector<16xf32>,
      %sub3A_81 = arith.subf %gather3A_72, %gather3A : vector<16xf32>
      %sub3A_82 = arith.subf %gather3A_76, %gather3A_67 : vector<16xf32>
      %sub3A_83 = arith.subf %gather3A_80, %gather3A_71 : vector<16xf32>
      %mul3A_84 = arith.mulf %sub3A_81, %sub3A_81 : vector<16xf32>
      %mul3A_85 = arith.mulf %sub3A_82, %sub3A_82 : vector<16xf32>
      %add3A_86 = arith.addf %mul3A_84, %mul3A_85 : vector<16xf32>
      %mul3A_87 = arith.mulf %sub3A_83, %sub3A_83 : vector<16xf32>
      %add3A_88 = arith.addf %add3A_86, %mul3A_87 : vector<16xf32>
      %get3A_89 = arith.index_cast %add3A_50 : i32 to index
      %get3A_90 = arith.constant 0 : index
      %get3A_91 = tpu.vector_load %arg13[%get3A_89, %get3A_90] {strides = array<i32>} : memref<40x128xf32, #tpu.memory_space<vmem>>, vector<16xf32>,
      %mul3A_92 = arith.mulf %add3A_88, %get3A_91 : vector<16xf32>
      %swap3A = arith.index_cast %add3A_50 : i32 to index
      %swap3A_93 = arith.constant 0 : index
      %swap3A_94 = tpu.vector_load %arg12[%swap3A, %swap3A_93] {strides = array<i32>} : memref<40x128xf32, #tpu.memory_space<vmem>>, vector<16xf32>,
      tpu.vector_store %arg12[%swap3A, %swap3A_93], %mul3A_92 {strides = array<i32>} : memref<40x128xf32, #tpu.memory_space<vmem>>, vector<16xf32>,
      %swap3A_95 = arith.index_cast %add3A_50 : i32 to index
      %swap3A_96 = arith.constant 0 : index
      %swap3A_97 = tpu.vector_load %arg11[%swap3A_95, %swap3A_96] {strides = array<i32>} : memref<40x128xi32, #tpu.memory_space<vmem>>, vector<16xi32>,
      tpu.vector_store %arg11[%swap3A_95, %swap3A_96], %get3A_55 {strides = array<i32>} : memref<40x128xi32, #tpu.memory_space<vmem>>, vector<16xi32>,
      %mul3A_98 = arith.constant 128 : i32
      %mul3A_99 = arith.muli %add3A_50, %mul3A_98 : i32
      %add3A_100 = arith.constant 16 : i32
      %add3A_101 = arith.addi %mul3A_99, %add3A_100 : i32
      %get3A_102 = arith.index_cast %add3A_101 : i32 to index
      %get3A_103 = tpu.vector_load %arg10[%get3A_102] {strides = array<i32>} : memref<5120xi32, #tpu.memory_space<vmem>>, vector<16xi32>,
      %get3A_104 = arith.index_cast %add3A_101 : i32 to index
      %get3A_105 = tpu.vector_load %arg9[%get3A_104] {strides = array<i32>} : memref<5120xi32, #tpu.memory_space<vmem>>, vector<16xi32>,
      %mul3A_106 = arith.constant 3 : i32
      %mul3A_107 = vector.broadcast %mul3A_106 : i32 to vector<16xi32>
      %mul3A_108 = arith.muli %get3A_105, %mul3A_107 : vector<16xi32>
      %mul3A_109 = arith.constant 3 : i32
      %mul3A_110 = vector.broadcast %mul3A_109 : i32 to vector<16xi32>
      %mul3A_111 = arith.muli %get3A_103, %mul3A_110 : vector<16xi32>
      %gather3A_112 = tpu.vector_load_idx %arg8[%mul3A_108] : memref<30000xf32, #tpu.memory_space<vmem>>[vector<16xi32>], vector<16xf32>,
      %add3A_113 = arith.constant 1 : i32
      %add3A_114 = vector.broadcast %add3A_113 : i32 to vector<16xi32>
      %add3A_115 = arith.addi %mul3A_108, %add3A_114 : vector<16xi32>
      %gather3A_116 = tpu.vector_load_idx %arg8[%add3A_115] : memref<30000xf32, #tpu.memory_space<vmem>>[vector<16xi32>], vector<16xf32>,
      %add3A_117 = arith.constant 2 : i32
      %add3A_118 = vector.broadcast %add3A_117 : i32 to vector<16xi32>
      %add3A_119 = arith.addi %mul3A_108, %add3A_118 : vector<16xi32>
      %gather3A_120 = tpu.vector_load_idx %arg8[%add3A_119] : memref<30000xf32, #tpu.memory_space<vmem>>[vector<16xi32>], vector<16xf32>,
      %gather3A_121 = tpu.vector_load_idx %arg8[%mul3A_111] : memref<30000xf32, #tpu.memory_space<vmem>>[vector<16xi32>], vector<16xf32>,
      %add3A_122 = arith.constant 1 : i32
      %add3A_123 = vector.broadcast %add3A_122 : i32 to vector<16xi32>
      %add3A_124 = arith.addi %mul3A_111, %add3A_123 : vector<16xi32>
      %gather3A_125 = tpu.vector_load_idx %arg8[%add3A_124] : memref<30000xf32, #tpu.memory_space<vmem>>[vector<16xi32>], vector<16xf32>,
      %add3A_126 = arith.constant 2 : i32
      %add3A_127 = vector.broadcast %add3A_126 : i32 to vector<16xi32>
      %add3A_128 = arith.addi %mul3A_111, %add3A_127 : vector<16xi32>
      %gather3A_129 = tpu.vector_load_idx %arg8[%add3A_128] : memref<30000xf32, #tpu.memory_space<vmem>>[vector<16xi32>], vector<16xf32>,
      %sub3A_130 = arith.subf %gather3A_121, %gather3A_112 : vector<16xf32>
      %sub3A_131 = arith.subf %gather3A_125, %gather3A_116 : vector<16xf32>
      %sub3A_132 = arith.subf %gather3A_129, %gather3A_120 : vector<16xf32>
      %mul3A_133 = arith.mulf %sub3A_130, %sub3A_130 : vector<16xf32>
      %mul3A_134 = arith.mulf %sub3A_131, %sub3A_131 : vector<16xf32>
      %add3A_135 = arith.addf %mul3A_133, %mul3A_134 : vector<16xf32>
      %mul3A_136 = arith.mulf %sub3A_132, %sub3A_132 : vector<16xf32>
      %add3A_137 = arith.addf %add3A_135, %mul3A_136 : vector<16xf32>
      %get3A_138 = arith.index_cast %add3A_50 : i32 to index
      %get3A_139 = arith.constant 16 : index
      %get3A_140 = tpu.vector_load %arg13[%get3A_138, %get3A_139] {strides = array<i32>} : memref<40x128xf32, #tpu.memory_space<vmem>>, vector<16xf32>,
      %mul3A_141 = arith.mulf %add3A_137, %get3A_140 : vector<16xf32>
      %swap3A_142 = arith.index_cast %add3A_50 : i32 to index
      %swap3A_143 = arith.constant 16 : index
      %swap3A_144 = tpu.vector_load %arg12[%swap3A_142, %swap3A_143] {strides = array<i32>} : memref<40x128xf32, #tpu.memory_space<vmem>>, vector<16xf32>,
      tpu.vector_store %arg12[%swap3A_142, %swap3A_143], %mul3A_141 {strides = array<i32>} : memref<40x128xf32, #tpu.memory_space<vmem>>, vector<16xf32>,
      %swap3A_145 = arith.index_cast %add3A_50 : i32 to index
      %swap3A_146 = arith.constant 16 : index
      %swap3A_147 = tpu.vector_load %arg11[%swap3A_145, %swap3A_146] {strides = array<i32>} : memref<40x128xi32, #tpu.memory_space<vmem>>, vector<16xi32>,
      tpu.vector_store %arg11[%swap3A_145, %swap3A_146], %get3A_103 {strides = array<i32>} : memref<40x128xi32, #tpu.memory_space<vmem>>, vector<16xi32>,
      %mul3A_148 = arith.constant 128 : i32
      %mul3A_149 = arith.muli %add3A_50, %mul3A_148 : i32
      %add3A_150 = arith.constant 32 : i32
      %add3A_151 = arith.addi %mul3A_149, %add3A_150 : i32
      %get3A_152 = arith.index_cast %add3A_151 : i32 to index
      %get3A_153 = tpu.vector_load %arg10[%get3A_152] {strides = array<i32>} : memref<5120xi32, #tpu.memory_space<vmem>>, vector<16xi32>,
      %get3A_154 = arith.index_cast %add3A_151 : i32 to index
      %get3A_155 = tpu.vector_load %arg9[%get3A_154] {strides = array<i32>} : memref<5120xi32, #tpu.memory_space<vmem>>, vector<16xi32>,
      %mul3A_156 = arith.constant 3 : i32
      %mul3A_157 = vector.broadcast %mul3A_156 : i32 to vector<16xi32>
      %mul3A_158 = arith.muli %get3A_155, %mul3A_157 : vector<16xi32>
      %mul3A_159 = arith.constant 3 : i32
      %mul3A_160 = vector.broadcast %mul3A_159 : i32 to vector<16xi32>
      %mul3A_161 = arith.muli %get3A_153, %mul3A_160 : vector<16xi32>
      %gather3A_162 = tpu.vector_load_idx %arg8[%mul3A_158] : memref<30000xf32, #tpu.memory_space<vmem>>[vector<16xi32>], vector<16xf32>,
      %add3A_163 = arith.constant 1 : i32
      %add3A_164 = vector.broadcast %add3A_163 : i32 to vector<16xi32>
      %add3A_165 = arith.addi %mul3A_158, %add3A_164 : vector<16xi32>
      %gather3A_166 = tpu.vector_load_idx %arg8[%add3A_165] : memref<30000xf32, #tpu.memory_space<vmem>>[vector<16xi32>], vector<16xf32>,
      %add3A_167 = arith.constant 2 : i32
      %add3A_168 = vector.broadcast %add3A_167 : i32 to vector<16xi32>
      %add3A_169 = arith.addi %mul3A_158, %add3A_168 : vector<16xi32>
      %gather3A_170 = tpu.vector_load_idx %arg8[%add3A_169] : memref<30000xf32, #tpu.memory_space<vmem>>[vector<16xi32>], vector<16xf32>,
      %gather3A_171 = tpu.vector_load_idx %arg8[%mul3A_161] : memref<30000xf32, #tpu.memory_space<vmem>>[vector<16xi32>], vector<16xf32>,
      %add3A_172 = arith.constant 1 : i32
      %add3A_173 = vector.broadcast %add3A_172 : i32 to vector<16xi32>
      %add3A_174 = arith.addi %mul3A_161, %add3A_173 : vector<16xi32>
      %gather3A_175 = tpu.vector_load_idx %arg8[%add3A_174] : memref<30000xf32, #tpu.memory_space<vmem>>[vector<16xi32>], vector<16xf32>,
      %add3A_176 = arith.constant 2 : i32
      %add3A_177 = vector.broadcast %add3A_176 : i32 to vector<16xi32>
      %add3A_178 = arith.addi %mul3A_161, %add3A_177 : vector<16xi32>
      %gather3A_179 = tpu.vector_load_idx %arg8[%add3A_178] : memref<30000xf32, #tpu.memory_space<vmem>>[vector<16xi32>], vector<16xf32>,
      %sub3A_180 = arith.subf %gather3A_171, %gather3A_162 : vector<16xf32>
      %sub3A_181 = arith.subf %gather3A_175, %gather3A_166 : vector<16xf32>
      %sub3A_182 = arith.subf %gather3A_179, %gather3A_170 : vector<16xf32>
      %mul3A_183 = arith.mulf %sub3A_180, %sub3A_180 : vector<16xf32>
      %mul3A_184 = arith.mulf %sub3A_181, %sub3A_181 : vector<16xf32>
      %add3A_185 = arith.addf %mul3A_183, %mul3A_184 : vector<16xf32>
      %mul3A_186 = arith.mulf %sub3A_182, %sub3A_182 : vector<16xf32>
      %add3A_187 = arith.addf %add3A_185, %mul3A_186 : vector<16xf32>
      %get3A_188 = arith.index_cast %add3A_50 : i32 to index
      %get3A_189 = arith.constant 32 : index
      %get3A_190 = tpu.vector_load %arg13[%get3A_188, %get3A_189] {strides = array<i32>} : memref<40x128xf32, #tpu.memory_space<vmem>>, vector<16xf32>,
      %mul3A_191 = arith.mulf %add3A_187, %get3A_190 : vector<16xf32>
      %swap3A_192 = arith.index_cast %add3A_50 : i32 to index
      %swap3A_193 = arith.constant 32 : index
      %swap3A_194 = tpu.vector_load %arg12[%swap3A_192, %swap3A_193] {strides = array<i32>} : memref<40x128xf32, #tpu.memory_space<vmem>>, vector<16xf32>,
      tpu.vector_store %arg12[%swap3A_192, %swap3A_193], %mul3A_191 {strides = array<i32>} : memref<40x128xf32, #tpu.memory_space<vmem>>, vector<16xf32>,
      %swap3A_195 = arith.index_cast %add3A_50 : i32 to index
      %swap3A_196 = arith.constant 32 : index
      %swap3A_197 = tpu.vector_load %arg11[%swap3A_195, %swap3A_196] {strides = array<i32>} : memref<40x128xi32, #tpu.memory_space<vmem>>, vector<16xi32>,
      tpu.vector_store %arg11[%swap3A_195, %swap3A_196], %get3A_153 {strides = array<i32>} : memref<40x128xi32, #tpu.memory_space<vmem>>, vector<16xi32>,
      %mul3A_198 = arith.constant 128 : i32
      %mul3A_199 = arith.muli %add3A_50, %mul3A_198 : i32
      %add3A_200 = arith.constant 48 : i32
      %add3A_201 = arith.addi %mul3A_199, %add3A_200 : i32
      %get3A_202 = arith.index_cast %add3A_201 : i32 to index
      %get3A_203 = tpu.vector_load %arg10[%get3A_202] {strides = array<i32>} : memref<5120xi32, #tpu.memory_space<vmem>>, vector<16xi32>,
      %get3A_204 = arith.index_cast %add3A_201 : i32 to index
      %get3A_205 = tpu.vector_load %arg9[%get3A_204] {strides = array<i32>} : memref<5120xi32, #tpu.memory_space<vmem>>, vector<16xi32>,
      %mul3A_206 = arith.constant 3 : i32
      %mul3A_207 = vector.broadcast %mul3A_206 : i32 to vector<16xi32>
      %mul3A_208 = arith.muli %get3A_205, %mul3A_207 : vector<16xi32>
      %mul3A_209 = arith.constant 3 : i32
      %mul3A_210 = vector.broadcast %mul3A_209 : i32 to vector<16xi32>
      %mul3A_211 = arith.muli %get3A_203, %mul3A_210 : vector<16xi32>
      %gather3A_212 = tpu.vector_load_idx %arg8[%mul3A_208] : memref<30000xf32, #tpu.memory_space<vmem>>[vector<16xi32>], vector<16xf32>,
      %add3A_213 = arith.constant 1 : i32
      %add3A_214 = vector.broadcast %add3A_213 : i32 to vector<16xi32>
      %add3A_215 = arith.addi %mul3A_208, %add3A_214 : vector<16xi32>
      %gather3A_216 = tpu.vector_load_idx %arg8[%add3A_215] : memref<30000xf32, #tpu.memory_space<vmem>>[vector<16xi32>], vector<16xf32>,
      %add3A_217 = arith.constant 2 : i32
      %add3A_218 = vector.broadcast %add3A_217 : i32 to vector<16xi32>
      %add3A_219 = arith.addi %mul3A_208, %add3A_218 : vector<16xi32>
      %gather3A_220 = tpu.vector_load_idx %arg8[%add3A_219] : memref<30000xf32, #tpu.memory_space<vmem>>[vector<16xi32>], vector<16xf32>,
      %gather3A_221 = tpu.vector_load_idx %arg8[%mul3A_211] : memref<30000xf32, #tpu.memory_space<vmem>>[vector<16xi32>], vector<16xf32>,
      %add3A_222 = arith.constant 1 : i32
      %add3A_223 = vector.broadcast %add3A_222 : i32 to vector<16xi32>
      %add3A_224 = arith.addi %mul3A_211, %add3A_223 : vector<16xi32>
      %gather3A_225 = tpu.vector_load_idx %arg8[%add3A_224] : memref<30000xf32, #tpu.memory_space<vmem>>[vector<16xi32>], vector<16xf32>,
      %add3A_226 = arith.constant 2 : i32
      %add3A_227 = vector.broadcast %add3A_226 : i32 to vector<16xi32>
      %add3A_228 = arith.addi %mul3A_211, %add3A_227 : vector<16xi32>
      %gather3A_229 = tpu.vector_load_idx %arg8[%add3A_228] : memref<30000xf32, #tpu.memory_space<vmem>>[vector<16xi32>], vector<16xf32>,
      %sub3A_230 = arith.subf %gather3A_221, %gather3A_212 : vector<16xf32>
      %sub3A_231 = arith.subf %gather3A_225, %gather3A_216 : vector<16xf32>
      %sub3A_232 = arith.subf %gather3A_229, %gather3A_220 : vector<16xf32>
      %mul3A_233 = arith.mulf %sub3A_230, %sub3A_230 : vector<16xf32>
      %mul3A_234 = arith.mulf %sub3A_231, %sub3A_231 : vector<16xf32>
      %add3A_235 = arith.addf %mul3A_233, %mul3A_234 : vector<16xf32>
      %mul3A_236 = arith.mulf %sub3A_232, %sub3A_232 : vector<16xf32>
      %add3A_237 = arith.addf %add3A_235, %mul3A_236 : vector<16xf32>
      %get3A_238 = arith.index_cast %add3A_50 : i32 to index
      %get3A_239 = arith.constant 48 : index
      %get3A_240 = tpu.vector_load %arg13[%get3A_238, %get3A_239] {strides = array<i32>} : memref<40x128xf32, #tpu.memory_space<vmem>>, vector<16xf32>,
      %mul3A_241 = arith.mulf %add3A_237, %get3A_240 : vector<16xf32>
      %swap3A_242 = arith.index_cast %add3A_50 : i32 to index
      %swap3A_243 = arith.constant 48 : index
      %swap3A_244 = tpu.vector_load %arg12[%swap3A_242, %swap3A_243] {strides = array<i32>} : memref<40x128xf32, #tpu.memory_space<vmem>>, vector<16xf32>,
      tpu.vector_store %arg12[%swap3A_242, %swap3A_243], %mul3A_241 {strides = array<i32>} : memref<40x128xf32, #tpu.memory_space<vmem>>, vector<16xf32>,
      %swap3A_245 = arith.index_cast %add3A_50 : i32 to index
      %swap3A_246 = arith.constant 48 : index
      %swap3A_247 = tpu.vector_load %arg11[%swap3A_245, %swap3A_246] {strides = array<i32>} : memref<40x128xi32, #tpu.memory_space<vmem>>, vector<16xi32>,
      tpu.vector_store %arg11[%swap3A_245, %swap3A_246], %get3A_203 {strides = array<i32>} : memref<40x128xi32, #tpu.memory_space<vmem>>, vector<16xi32>,
      %mul3A_248 = arith.constant 128 : i32
      %mul3A_249 = arith.muli %add3A_50, %mul3A_248 : i32
      %add3A_250 = arith.constant 64 : i32
      %add3A_251 = arith.addi %mul3A_249, %add3A_250 : i32
      %get3A_252 = arith.index_cast %add3A_251 : i32 to index
      %get3A_253 = tpu.vector_load %arg10[%get3A_252] {strides = array<i32>} : memref<5120xi32, #tpu.memory_space<vmem>>, vector<16xi32>,
      %get3A_254 = arith.index_cast %add3A_251 : i32 to index
      %get3A_255 = tpu.vector_load %arg9[%get3A_254] {strides = array<i32>} : memref<5120xi32, #tpu.memory_space<vmem>>, vector<16xi32>,
      %mul3A_256 = arith.constant 3 : i32
      %mul3A_257 = vector.broadcast %mul3A_256 : i32 to vector<16xi32>
      %mul3A_258 = arith.muli %get3A_255, %mul3A_257 : vector<16xi32>
      %mul3A_259 = arith.constant 3 : i32
      %mul3A_260 = vector.broadcast %mul3A_259 : i32 to vector<16xi32>
      %mul3A_261 = arith.muli %get3A_253, %mul3A_260 : vector<16xi32>
      %gather3A_262 = tpu.vector_load_idx %arg8[%mul3A_258] : memref<30000xf32, #tpu.memory_space<vmem>>[vector<16xi32>], vector<16xf32>,
      %add3A_263 = arith.constant 1 : i32
      %add3A_264 = vector.broadcast %add3A_263 : i32 to vector<16xi32>
      %add3A_265 = arith.addi %mul3A_258, %add3A_264 : vector<16xi32>
      %gather3A_266 = tpu.vector_load_idx %arg8[%add3A_265] : memref<30000xf32, #tpu.memory_space<vmem>>[vector<16xi32>], vector<16xf32>,
      %add3A_267 = arith.constant 2 : i32
      %add3A_268 = vector.broadcast %add3A_267 : i32 to vector<16xi32>
      %add3A_269 = arith.addi %mul3A_258, %add3A_268 : vector<16xi32>
      %gather3A_270 = tpu.vector_load_idx %arg8[%add3A_269] : memref<30000xf32, #tpu.memory_space<vmem>>[vector<16xi32>], vector<16xf32>,
      %gather3A_271 = tpu.vector_load_idx %arg8[%mul3A_261] : memref<30000xf32, #tpu.memory_space<vmem>>[vector<16xi32>], vector<16xf32>,
      %add3A_272 = arith.constant 1 : i32
      %add3A_273 = vector.broadcast %add3A_272 : i32 to vector<16xi32>
      %add3A_274 = arith.addi %mul3A_261, %add3A_273 : vector<16xi32>
      %gather3A_275 = tpu.vector_load_idx %arg8[%add3A_274] : memref<30000xf32, #tpu.memory_space<vmem>>[vector<16xi32>], vector<16xf32>,
      %add3A_276 = arith.constant 2 : i32
      %add3A_277 = vector.broadcast %add3A_276 : i32 to vector<16xi32>
      %add3A_278 = arith.addi %mul3A_261, %add3A_277 : vector<16xi32>
      %gather3A_279 = tpu.vector_load_idx %arg8[%add3A_278] : memref<30000xf32, #tpu.memory_space<vmem>>[vector<16xi32>], vector<16xf32>,
      %sub3A_280 = arith.subf %gather3A_271, %gather3A_262 : vector<16xf32>
      %sub3A_281 = arith.subf %gather3A_275, %gather3A_266 : vector<16xf32>
      %sub3A_282 = arith.subf %gather3A_279, %gather3A_270 : vector<16xf32>
      %mul3A_283 = arith.mulf %sub3A_280, %sub3A_280 : vector<16xf32>
      %mul3A_284 = arith.mulf %sub3A_281, %sub3A_281 : vector<16xf32>
      %add3A_285 = arith.addf %mul3A_283, %mul3A_284 : vector<16xf32>
      %mul3A_286 = arith.mulf %sub3A_282, %sub3A_282 : vector<16xf32>
      %add3A_287 = arith.addf %add3A_285, %mul3A_286 : vector<16xf32>
      %get3A_288 = arith.index_cast %add3A_50 : i32 to index
      %get3A_289 = arith.constant 64 : index
      %get3A_290 = tpu.vector_load %arg13[%get3A_288, %get3A_289] {strides = array<i32>} : memref<40x128xf32, #tpu.memory_space<vmem>>, vector<16xf32>,
      %mul3A_291 = arith.mulf %add3A_287, %get3A_290 : vector<16xf32>
      %swap3A_292 = arith.index_cast %add3A_50 : i32 to index
      %swap3A_293 = arith.constant 64 : index
      %swap3A_294 = tpu.vector_load %arg12[%swap3A_292, %swap3A_293] {strides = array<i32>} : memref<40x128xf32, #tpu.memory_space<vmem>>, vector<16xf32>,
      tpu.vector_store %arg12[%swap3A_292, %swap3A_293], %mul3A_291 {strides = array<i32>} : memref<40x128xf32, #tpu.memory_space<vmem>>, vector<16xf32>,
      %swap3A_295 = arith.index_cast %add3A_50 : i32 to index
      %swap3A_296 = arith.constant 64 : index
      %swap3A_297 = tpu.vector_load %arg11[%swap3A_295, %swap3A_296] {strides = array<i32>} : memref<40x128xi32, #tpu.memory_space<vmem>>, vector<16xi32>,
      tpu.vector_store %arg11[%swap3A_295, %swap3A_296], %get3A_253 {strides = array<i32>} : memref<40x128xi32, #tpu.memory_space<vmem>>, vector<16xi32>,
      %mul3A_298 = arith.constant 128 : i32
      %mul3A_299 = arith.muli %add3A_50, %mul3A_298 : i32
      %add3A_300 = arith.constant 80 : i32
      %add3A_301 = arith.addi %mul3A_299, %add3A_300 : i32
      %get3A_302 = arith.index_cast %add3A_301 : i32 to index
      %get3A_303 = tpu.vector_load %arg10[%get3A_302] {strides = array<i32>} : memref<5120xi32, #tpu.memory_space<vmem>>, vector<16xi32>,
      %get3A_304 = arith.index_cast %add3A_301 : i32 to index
      %get3A_305 = tpu.vector_load %arg9[%get3A_304] {strides = array<i32>} : memref<5120xi32, #tpu.memory_space<vmem>>, vector<16xi32>,
      %mul3A_306 = arith.constant 3 : i32
      %mul3A_307 = vector.broadcast %mul3A_306 : i32 to vector<16xi32>
      %mul3A_308 = arith.muli %get3A_305, %mul3A_307 : vector<16xi32>
      %mul3A_309 = arith.constant 3 : i32
      %mul3A_310 = vector.broadcast %mul3A_309 : i32 to vector<16xi32>
      %mul3A_311 = arith.muli %get3A_303, %mul3A_310 : vector<16xi32>
      %gather3A_312 = tpu.vector_load_idx %arg8[%mul3A_308] : memref<30000xf32, #tpu.memory_space<vmem>>[vector<16xi32>], vector<16xf32>,
      %add3A_313 = arith.constant 1 : i32
      %add3A_314 = vector.broadcast %add3A_313 : i32 to vector<16xi32>
      %add3A_315 = arith.addi %mul3A_308, %add3A_314 : vector<16xi32>
      %gather3A_316 = tpu.vector_load_idx %arg8[%add3A_315] : memref<30000xf32, #tpu.memory_space<vmem>>[vector<16xi32>], vector<16xf32>,
      %add3A_317 = arith.constant 2 : i32
      %add3A_318 = vector.broadcast %add3A_317 : i32 to vector<16xi32>
      %add3A_319 = arith.addi %mul3A_308, %add3A_318 : vector<16xi32>
      %gather3A_320 = tpu.vector_load_idx %arg8[%add3A_319] : memref<30000xf32, #tpu.memory_space<vmem>>[vector<16xi32>], vector<16xf32>,
      %gather3A_321 = tpu.vector_load_idx %arg8[%mul3A_311] : memref<30000xf32, #tpu.memory_space<vmem>>[vector<16xi32>], vector<16xf32>,
      %add3A_322 = arith.constant 1 : i32
      %add3A_323 = vector.broadcast %add3A_322 : i32 to vector<16xi32>
      %add3A_324 = arith.addi %mul3A_311, %add3A_323 : vector<16xi32>
      %gather3A_325 = tpu.vector_load_idx %arg8[%add3A_324] : memref<30000xf32, #tpu.memory_space<vmem>>[vector<16xi32>], vector<16xf32>,
      %add3A_326 = arith.constant 2 : i32
      %add3A_327 = vector.broadcast %add3A_326 : i32 to vector<16xi32>
      %add3A_328 = arith.addi %mul3A_311, %add3A_327 : vector<16xi32>
      %gather3A_329 = tpu.vector_load_idx %arg8[%add3A_328] : memref<30000xf32, #tpu.memory_space<vmem>>[vector<16xi32>], vector<16xf32>,
      %sub3A_330 = arith.subf %gather3A_321, %gather3A_312 : vector<16xf32>
      %sub3A_331 = arith.subf %gather3A_325, %gather3A_316 : vector<16xf32>
      %sub3A_332 = arith.subf %gather3A_329, %gather3A_320 : vector<16xf32>
      %mul3A_333 = arith.mulf %sub3A_330, %sub3A_330 : vector<16xf32>
      %mul3A_334 = arith.mulf %sub3A_331, %sub3A_331 : vector<16xf32>
      %add3A_335 = arith.addf %mul3A_333, %mul3A_334 : vector<16xf32>
      %mul3A_336 = arith.mulf %sub3A_332, %sub3A_332 : vector<16xf32>
      %add3A_337 = arith.addf %add3A_335, %mul3A_336 : vector<16xf32>
      %get3A_338 = arith.index_cast %add3A_50 : i32 to index
      %get3A_339 = arith.constant 80 : index
      %get3A_340 = tpu.vector_load %arg13[%get3A_338, %get3A_339] {strides = array<i32>} : memref<40x128xf32, #tpu.memory_space<vmem>>, vector<16xf32>,
      %mul3A_341 = arith.mulf %add3A_337, %get3A_340 : vector<16xf32>
      %swap3A_342 = arith.index_cast %add3A_50 : i32 to index
      %swap3A_343 = arith.constant 80 : index
      %swap3A_344 = tpu.vector_load %arg12[%swap3A_342, %swap3A_343] {strides = array<i32>} : memref<40x128xf32, #tpu.memory_space<vmem>>, vector<16xf32>,
      tpu.vector_store %arg12[%swap3A_342, %swap3A_343], %mul3A_341 {strides = array<i32>} : memref<40x128xf32, #tpu.memory_space<vmem>>, vector<16xf32>,
      %swap3A_345 = arith.index_cast %add3A_50 : i32 to index
      %swap3A_346 = arith.constant 80 : index
      %swap3A_347 = tpu.vector_load %arg11[%swap3A_345, %swap3A_346] {strides = array<i32>} : memref<40x128xi32, #tpu.memory_space<vmem>>, vector<16xi32>,
      tpu.vector_store %arg11[%swap3A_345, %swap3A_346], %get3A_303 {strides = array<i32>} : memref<40x128xi32, #tpu.memory_space<vmem>>, vector<16xi32>,
      %mul3A_348 = arith.constant 128 : i32
      %mul3A_349 = arith.muli %add3A_50, %mul3A_348 : i32
      %add3A_350 = arith.constant 96 : i32
      %add3A_351 = arith.addi %mul3A_349, %add3A_350 : i32
      %get3A_352 = arith.index_cast %add3A_351 : i32 to index
      %get3A_353 = tpu.vector_load %arg10[%get3A_352] {strides = array<i32>} : memref<5120xi32, #tpu.memory_space<vmem>>, vector<16xi32>,
      %get3A_354 = arith.index_cast %add3A_351 : i32 to index
      %get3A_355 = tpu.vector_load %arg9[%get3A_354] {strides = array<i32>} : memref<5120xi32, #tpu.memory_space<vmem>>, vector<16xi32>,
      %mul3A_356 = arith.constant 3 : i32
      %mul3A_357 = vector.broadcast %mul3A_356 : i32 to vector<16xi32>
      %mul3A_358 = arith.muli %get3A_355, %mul3A_357 : vector<16xi32>
      %mul3A_359 = arith.constant 3 : i32
      %mul3A_360 = vector.broadcast %mul3A_359 : i32 to vector<16xi32>
      %mul3A_361 = arith.muli %get3A_353, %mul3A_360 : vector<16xi32>
      %gather3A_362 = tpu.vector_load_idx %arg8[%mul3A_358] : memref<30000xf32, #tpu.memory_space<vmem>>[vector<16xi32>], vector<16xf32>,
      %add3A_363 = arith.constant 1 : i32
      %add3A_364 = vector.broadcast %add3A_363 : i32 to vector<16xi32>
      %add3A_365 = arith.addi %mul3A_358, %add3A_364 : vector<16xi32>
      %gather3A_366 = tpu.vector_load_idx %arg8[%add3A_365] : memref<30000xf32, #tpu.memory_space<vmem>>[vector<16xi32>], vector<16xf32>,
      %add3A_367 = arith.constant 2 : i32
      %add3A_368 = vector.broadcast %add3A_367 : i32 to vector<16xi32>
      %add3A_369 = arith.addi %mul3A_358, %add3A_368 : vector<16xi32>
      %gather3A_370 = tpu.vector_load_idx %arg8[%add3A_369] : memref<30000xf32, #tpu.memory_space<vmem>>[vector<16xi32>], vector<16xf32>,
      %gather3A_371 = tpu.vector_load_idx %arg8[%mul3A_361] : memref<30000xf32, #tpu.memory_space<vmem>>[vector<16xi32>], vector<16xf32>,
      %add3A_372 = arith.constant 1 : i32
      %add3A_373 = vector.broadcast %add3A_372 : i32 to vector<16xi32>
      %add3A_374 = arith.addi %mul3A_361, %add3A_373 : vector<16xi32>
      %gather3A_375 = tpu.vector_load_idx %arg8[%add3A_374] : memref<30000xf32, #tpu.memory_space<vmem>>[vector<16xi32>], vector<16xf32>,
      %add3A_376 = arith.constant 2 : i32
      %add3A_377 = vector.broadcast %add3A_376 : i32 to vector<16xi32>
      %add3A_378 = arith.addi %mul3A_361, %add3A_377 : vector<16xi32>
      %gather3A_379 = tpu.vector_load_idx %arg8[%add3A_378] : memref<30000xf32, #tpu.memory_space<vmem>>[vector<16xi32>], vector<16xf32>,
      %sub3A_380 = arith.subf %gather3A_371, %gather3A_362 : vector<16xf32>
      %sub3A_381 = arith.subf %gather3A_375, %gather3A_366 : vector<16xf32>
      %sub3A_382 = arith.subf %gather3A_379, %gather3A_370 : vector<16xf32>
      %mul3A_383 = arith.mulf %sub3A_380, %sub3A_380 : vector<16xf32>
      %mul3A_384 = arith.mulf %sub3A_381, %sub3A_381 : vector<16xf32>
      %add3A_385 = arith.addf %mul3A_383, %mul3A_384 : vector<16xf32>
      %mul3A_386 = arith.mulf %sub3A_382, %sub3A_382 : vector<16xf32>
      %add3A_387 = arith.addf %add3A_385, %mul3A_386 : vector<16xf32>
      %get3A_388 = arith.index_cast %add3A_50 : i32 to index
      %get3A_389 = arith.constant 96 : index
      %get3A_390 = tpu.vector_load %arg13[%get3A_388, %get3A_389] {strides = array<i32>} : memref<40x128xf32, #tpu.memory_space<vmem>>, vector<16xf32>,
      %mul3A_391 = arith.mulf %add3A_387, %get3A_390 : vector<16xf32>
      %swap3A_392 = arith.index_cast %add3A_50 : i32 to index
      %swap3A_393 = arith.constant 96 : index
      %swap3A_394 = tpu.vector_load %arg12[%swap3A_392, %swap3A_393] {strides = array<i32>} : memref<40x128xf32, #tpu.memory_space<vmem>>, vector<16xf32>,
      tpu.vector_store %arg12[%swap3A_392, %swap3A_393], %mul3A_391 {strides = array<i32>} : memref<40x128xf32, #tpu.memory_space<vmem>>, vector<16xf32>,
      %swap3A_395 = arith.index_cast %add3A_50 : i32 to index
      %swap3A_396 = arith.constant 96 : index
      %swap3A_397 = tpu.vector_load %arg11[%swap3A_395, %swap3A_396] {strides = array<i32>} : memref<40x128xi32, #tpu.memory_space<vmem>>, vector<16xi32>,
      tpu.vector_store %arg11[%swap3A_395, %swap3A_396], %get3A_353 {strides = array<i32>} : memref<40x128xi32, #tpu.memory_space<vmem>>, vector<16xi32>,
      %mul3A_398 = arith.constant 128 : i32
      %mul3A_399 = arith.muli %add3A_50, %mul3A_398 : i32
      %add3A_400 = arith.constant 112 : i32
      %add3A_401 = arith.addi %mul3A_399, %add3A_400 : i32
      %get3A_402 = arith.index_cast %add3A_401 : i32 to index
      %get3A_403 = tpu.vector_load %arg10[%get3A_402] {strides = array<i32>} : memref<5120xi32, #tpu.memory_space<vmem>>, vector<16xi32>,
      %get3A_404 = arith.index_cast %add3A_401 : i32 to index
      %get3A_405 = tpu.vector_load %arg9[%get3A_404] {strides = array<i32>} : memref<5120xi32, #tpu.memory_space<vmem>>, vector<16xi32>,
      %mul3A_406 = arith.constant 3 : i32
      %mul3A_407 = vector.broadcast %mul3A_406 : i32 to vector<16xi32>
      %mul3A_408 = arith.muli %get3A_405, %mul3A_407 : vector<16xi32>
      %mul3A_409 = arith.constant 3 : i32
      %mul3A_410 = vector.broadcast %mul3A_409 : i32 to vector<16xi32>
      %mul3A_411 = arith.muli %get3A_403, %mul3A_410 : vector<16xi32>
      %gather3A_412 = tpu.vector_load_idx %arg8[%mul3A_408] : memref<30000xf32, #tpu.memory_space<vmem>>[vector<16xi32>], vector<16xf32>,
      %add3A_413 = arith.constant 1 : i32
      %add3A_414 = vector.broadcast %add3A_413 : i32 to vector<16xi32>
      %add3A_415 = arith.addi %mul3A_408, %add3A_414 : vector<16xi32>
      %gather3A_416 = tpu.vector_load_idx %arg8[%add3A_415] : memref<30000xf32, #tpu.memory_space<vmem>>[vector<16xi32>], vector<16xf32>,
      %add3A_417 = arith.constant 2 : i32
      %add3A_418 = vector.broadcast %add3A_417 : i32 to vector<16xi32>
      %add3A_419 = arith.addi %mul3A_408, %add3A_418 : vector<16xi32>
      %gather3A_420 = tpu.vector_load_idx %arg8[%add3A_419] : memref<30000xf32, #tpu.memory_space<vmem>>[vector<16xi32>], vector<16xf32>,
      %gather3A_421 = tpu.vector_load_idx %arg8[%mul3A_411] : memref<30000xf32, #tpu.memory_space<vmem>>[vector<16xi32>], vector<16xf32>,
      %add3A_422 = arith.constant 1 : i32
      %add3A_423 = vector.broadcast %add3A_422 : i32 to vector<16xi32>
      %add3A_424 = arith.addi %mul3A_411, %add3A_423 : vector<16xi32>
      %gather3A_425 = tpu.vector_load_idx %arg8[%add3A_424] : memref<30000xf32, #tpu.memory_space<vmem>>[vector<16xi32>], vector<16xf32>,
      %add3A_426 = arith.constant 2 : i32
      %add3A_427 = vector.broadcast %add3A_426 : i32 to vector<16xi32>
      %add3A_428 = arith.addi %mul3A_411, %add3A_427 : vector<16xi32>
      %gather3A_429 = tpu.vector_load_idx %arg8[%add3A_428] : memref<30000xf32, #tpu.memory_space<vmem>>[vector<16xi32>], vector<16xf32>,
      %sub3A_430 = arith.subf %gather3A_421, %gather3A_412 : vector<16xf32>
      %sub3A_431 = arith.subf %gather3A_425, %gather3A_416 : vector<16xf32>
      %sub3A_432 = arith.subf %gather3A_429, %gather3A_420 : vector<16xf32>
      %mul3A_433 = arith.mulf %sub3A_430, %sub3A_430 : vector<16xf32>
      %mul3A_434 = arith.mulf %sub3A_431, %sub3A_431 : vector<16xf32>
      %add3A_435 = arith.addf %mul3A_433, %mul3A_434 : vector<16xf32>
      %mul3A_436 = arith.mulf %sub3A_432, %sub3A_432 : vector<16xf32>
      %add3A_437 = arith.addf %add3A_435, %mul3A_436 : vector<16xf32>
      %get3A_438 = arith.index_cast %add3A_50 : i32 to index
      %get3A_439 = arith.constant 112 : index
      %get3A_440 = tpu.vector_load %arg13[%get3A_438, %get3A_439] {strides = array<i32>} : memref<40x128xf32, #tpu.memory_space<vmem>>, vector<16xf32>,
      %mul3A_441 = arith.mulf %add3A_437, %get3A_440 : vector<16xf32>
      %swap3A_442 = arith.index_cast %add3A_50 : i32 to index
      %swap3A_443 = arith.constant 112 : index
      %swap3A_444 = tpu.vector_load %arg12[%swap3A_442, %swap3A_443] {strides = array<i32>} : memref<40x128xf32, #tpu.memory_space<vmem>>, vector<16xf32>,
      tpu.vector_store %arg12[%swap3A_442, %swap3A_443], %mul3A_441 {strides = array<i32>} : memref<40x128xf32, #tpu.memory_space<vmem>>, vector<16xf32>,
      %swap3A_445 = arith.index_cast %add3A_50 : i32 to index
      %swap3A_446 = arith.constant 112 : index
      %swap3A_447 = tpu.vector_load %arg11[%swap3A_445, %swap3A_446] {strides = array<i32>} : memref<40x128xi32, #tpu.memory_space<vmem>>, vector<16xi32>,
      tpu.vector_store %arg11[%swap3A_445, %swap3A_446], %get3A_403 {strides = array<i32>} : memref<40x128xi32, #tpu.memory_space<vmem>>, vector<16xi32>,
      %dma_start3A = arith.constant 0 : i32
      %dma_start3A_448 = tpu.memref_slice %arg12[%add3A_50, %dma_start3A] : memref<40x128xf32, #tpu.memory_space<vmem>> -> memref<1x128xf32, #tpu.memory_space<vmem>>
      %dma_start3A_449 = tpu.memref_squeeze %dma_start3A_448 : memref<1x128xf32, #tpu.memory_space<vmem>> -> memref<128xf32, #tpu.memory_space<vmem>>
      %dma_start3A_450 = arith.constant 0 : i32
      %dma_start3A_451 = tpu.memref_slice %arg11[%add3A_50, %dma_start3A_450] : memref<40x128xi32, #tpu.memory_space<vmem>> -> memref<1x128xi32, #tpu.memory_space<vmem>>
      %dma_start3A_452 = tpu.memref_squeeze %dma_start3A_451 : memref<1x128xi32, #tpu.memory_space<vmem>> -> memref<128xi32, #tpu.memory_space<vmem>>
      %dma_start3A_453 = arith.constant 0 : i32
      %dma_start3A_454 = tpu.memref_slice %arg14[%dma_start3A_453] : memref<10000xf32, #tpu.memory_space<vmem_shared>> -> memref<10000xf32, #tpu.memory_space<vmem_shared>>
      tpu.enqueue_indirect_dma source(%dma_start3A_449 : memref<128xf32, #tpu.memory_space<vmem>>) target(%dma_start3A_454 : memref<10000xf32, #tpu.memory_space<vmem_shared>>) offsets(%dma_start3A_452 : memref<128xi32, #tpu.memory_space<vmem>>) semaphore(%arg15 : memref<!tpu.dma_semaphore, #tpu.memory_space<semaphore_mem>>) {add = true}
    }
    %while3A_21 = arith.constant 1 : i32
    scf.for %while3A_48 = %while3A_19 to %while3A_15 step %while3A_21  : i32 {
      %mul3A_49 = arith.muli %while3A_48, %while3A : i32
      %add3A_50 = arith.addi %while3A_12, %mul3A_49 : i32
      %mul3A_51 = arith.constant 128 : i32
      %mul3A_52 = arith.muli %add3A_50, %mul3A_51 : i32
      %add3A_53 = arith.constant 0 : i32
      %add3A_54 = arith.addi %mul3A_52, %add3A_53 : i32
      %get3A = arith.index_cast %add3A_54 : i32 to index
      %get3A_55 = tpu.vector_load %arg10[%get3A] {strides = array<i32>} : memref<5120xi32, #tpu.memory_space<vmem>>, vector<16xi32>,
      %get3A_56 = arith.index_cast %add3A_54 : i32 to index
      %get3A_57 = tpu.vector_load %arg9[%get3A_56] {strides = array<i32>} : memref<5120xi32, #tpu.memory_space<vmem>>, vector<16xi32>,
      %mul3A_58 = arith.constant 3 : i32
      %mul3A_59 = vector.broadcast %mul3A_58 : i32 to vector<16xi32>
      %mul3A_60 = arith.muli %get3A_57, %mul3A_59 : vector<16xi32>
      %mul3A_61 = arith.constant 3 : i32
      %mul3A_62 = vector.broadcast %mul3A_61 : i32 to vector<16xi32>
      %mul3A_63 = arith.muli %get3A_55, %mul3A_62 : vector<16xi32>
      %gather3A = tpu.vector_load_idx %arg8[%mul3A_60] : memref<30000xf32, #tpu.memory_space<vmem>>[vector<16xi32>], vector<16xf32>,
      %add3A_64 = arith.constant 1 : i32
      %add3A_65 = vector.broadcast %add3A_64 : i32 to vector<16xi32>
      %add3A_66 = arith.addi %mul3A_60, %add3A_65 : vector<16xi32>
      %gather3A_67 = tpu.vector_load_idx %arg8[%add3A_66] : memref<30000xf32, #tpu.memory_space<vmem>>[vector<16xi32>], vector<16xf32>,
      %add3A_68 = arith.constant 2 : i32
      %add3A_69 = vector.broadcast %add3A_68 : i32 to vector<16xi32>
      %add3A_70 = arith.addi %mul3A_60, %add3A_69 : vector<16xi32>
      %gather3A_71 = tpu.vector_load_idx %arg8[%add3A_70] : memref<30000xf32, #tpu.memory_space<vmem>>[vector<16xi32>], vector<16xf32>,
      %gather3A_72 = tpu.vector_load_idx %arg8[%mul3A_63] : memref<30000xf32, #tpu.memory_space<vmem>>[vector<16xi32>], vector<16xf32>,
      %add3A_73 = arith.constant 1 : i32
      %add3A_74 = vector.broadcast %add3A_73 : i32 to vector<16xi32>
      %add3A_75 = arith.addi %mul3A_63, %add3A_74 : vector<16xi32>
      %gather3A_76 = tpu.vector_load_idx %arg8[%add3A_75] : memref<30000xf32, #tpu.memory_space<vmem>>[vector<16xi32>], vector<16xf32>,
      %add3A_77 = arith.constant 2 : i32
      %add3A_78 = vector.broadcast %add3A_77 : i32 to vector<16xi32>
      %add3A_79 = arith.addi %mul3A_63, %add3A_78 : vector<16xi32>
      %gather3A_80 = tpu.vector_load_idx %arg8[%add3A_79] : memref<30000xf32, #tpu.memory_space<vmem>>[vector<16xi32>], vector<16xf32>,
      %sub3A_81 = arith.subf %gather3A_72, %gather3A : vector<16xf32>
      %sub3A_82 = arith.subf %gather3A_76, %gather3A_67 : vector<16xf32>
      %sub3A_83 = arith.subf %gather3A_80, %gather3A_71 : vector<16xf32>
      %mul3A_84 = arith.mulf %sub3A_81, %sub3A_81 : vector<16xf32>
      %mul3A_85 = arith.mulf %sub3A_82, %sub3A_82 : vector<16xf32>
      %add3A_86 = arith.addf %mul3A_84, %mul3A_85 : vector<16xf32>
      %mul3A_87 = arith.mulf %sub3A_83, %sub3A_83 : vector<16xf32>
      %add3A_88 = arith.addf %add3A_86, %mul3A_87 : vector<16xf32>
      %get3A_89 = arith.index_cast %add3A_50 : i32 to index
      %get3A_90 = arith.constant 0 : index
      %get3A_91 = tpu.vector_load %arg13[%get3A_89, %get3A_90] {strides = array<i32>} : memref<40x128xf32, #tpu.memory_space<vmem>>, vector<16xf32>,
      %mul3A_92 = arith.mulf %add3A_88, %get3A_91 : vector<16xf32>
      %swap3A = arith.index_cast %add3A_50 : i32 to index
      %swap3A_93 = arith.constant 0 : index
      %swap3A_94 = tpu.vector_load %arg12[%swap3A, %swap3A_93] {strides = array<i32>} : memref<40x128xf32, #tpu.memory_space<vmem>>, vector<16xf32>,
      tpu.vector_store %arg12[%swap3A, %swap3A_93], %mul3A_92 {strides = array<i32>} : memref<40x128xf32, #tpu.memory_space<vmem>>, vector<16xf32>,
      %swap3A_95 = arith.index_cast %add3A_50 : i32 to index
      %swap3A_96 = arith.constant 0 : index
      %swap3A_97 = tpu.vector_load %arg11[%swap3A_95, %swap3A_96] {strides = array<i32>} : memref<40x128xi32, #tpu.memory_space<vmem>>, vector<16xi32>,
      tpu.vector_store %arg11[%swap3A_95, %swap3A_96], %get3A_55 {strides = array<i32>} : memref<40x128xi32, #tpu.memory_space<vmem>>, vector<16xi32>,
      %mul3A_98 = arith.constant 128 : i32
      %mul3A_99 = arith.muli %add3A_50, %mul3A_98 : i32
      %add3A_100 = arith.constant 16 : i32
      %add3A_101 = arith.addi %mul3A_99, %add3A_100 : i32
      %get3A_102 = arith.index_cast %add3A_101 : i32 to index
      %get3A_103 = tpu.vector_load %arg10[%get3A_102] {strides = array<i32>} : memref<5120xi32, #tpu.memory_space<vmem>>, vector<16xi32>,
      %get3A_104 = arith.index_cast %add3A_101 : i32 to index
      %get3A_105 = tpu.vector_load %arg9[%get3A_104] {strides = array<i32>} : memref<5120xi32, #tpu.memory_space<vmem>>, vector<16xi32>,
      %mul3A_106 = arith.constant 3 : i32
      %mul3A_107 = vector.broadcast %mul3A_106 : i32 to vector<16xi32>
      %mul3A_108 = arith.muli %get3A_105, %mul3A_107 : vector<16xi32>
      %mul3A_109 = arith.constant 3 : i32
      %mul3A_110 = vector.broadcast %mul3A_109 : i32 to vector<16xi32>
      %mul3A_111 = arith.muli %get3A_103, %mul3A_110 : vector<16xi32>
      %gather3A_112 = tpu.vector_load_idx %arg8[%mul3A_108] : memref<30000xf32, #tpu.memory_space<vmem>>[vector<16xi32>], vector<16xf32>,
      %add3A_113 = arith.constant 1 : i32
      %add3A_114 = vector.broadcast %add3A_113 : i32 to vector<16xi32>
      %add3A_115 = arith.addi %mul3A_108, %add3A_114 : vector<16xi32>
      %gather3A_116 = tpu.vector_load_idx %arg8[%add3A_115] : memref<30000xf32, #tpu.memory_space<vmem>>[vector<16xi32>], vector<16xf32>,
      %add3A_117 = arith.constant 2 : i32
      %add3A_118 = vector.broadcast %add3A_117 : i32 to vector<16xi32>
      %add3A_119 = arith.addi %mul3A_108, %add3A_118 : vector<16xi32>
      %gather3A_120 = tpu.vector_load_idx %arg8[%add3A_119] : memref<30000xf32, #tpu.memory_space<vmem>>[vector<16xi32>], vector<16xf32>,
      %gather3A_121 = tpu.vector_load_idx %arg8[%mul3A_111] : memref<30000xf32, #tpu.memory_space<vmem>>[vector<16xi32>], vector<16xf32>,
      %add3A_122 = arith.constant 1 : i32
      %add3A_123 = vector.broadcast %add3A_122 : i32 to vector<16xi32>
      %add3A_124 = arith.addi %mul3A_111, %add3A_123 : vector<16xi32>
      %gather3A_125 = tpu.vector_load_idx %arg8[%add3A_124] : memref<30000xf32, #tpu.memory_space<vmem>>[vector<16xi32>], vector<16xf32>,
      %add3A_126 = arith.constant 2 : i32
      %add3A_127 = vector.broadcast %add3A_126 : i32 to vector<16xi32>
      %add3A_128 = arith.addi %mul3A_111, %add3A_127 : vector<16xi32>
      %gather3A_129 = tpu.vector_load_idx %arg8[%add3A_128] : memref<30000xf32, #tpu.memory_space<vmem>>[vector<16xi32>], vector<16xf32>,
      %sub3A_130 = arith.subf %gather3A_121, %gather3A_112 : vector<16xf32>
      %sub3A_131 = arith.subf %gather3A_125, %gather3A_116 : vector<16xf32>
      %sub3A_132 = arith.subf %gather3A_129, %gather3A_120 : vector<16xf32>
      %mul3A_133 = arith.mulf %sub3A_130, %sub3A_130 : vector<16xf32>
      %mul3A_134 = arith.mulf %sub3A_131, %sub3A_131 : vector<16xf32>
      %add3A_135 = arith.addf %mul3A_133, %mul3A_134 : vector<16xf32>
      %mul3A_136 = arith.mulf %sub3A_132, %sub3A_132 : vector<16xf32>
      %add3A_137 = arith.addf %add3A_135, %mul3A_136 : vector<16xf32>
      %get3A_138 = arith.index_cast %add3A_50 : i32 to index
      %get3A_139 = arith.constant 16 : index
      %get3A_140 = tpu.vector_load %arg13[%get3A_138, %get3A_139] {strides = array<i32>} : memref<40x128xf32, #tpu.memory_space<vmem>>, vector<16xf32>,
      %mul3A_141 = arith.mulf %add3A_137, %get3A_140 : vector<16xf32>
      %swap3A_142 = arith.index_cast %add3A_50 : i32 to index
      %swap3A_143 = arith.constant 16 : index
      %swap3A_144 = tpu.vector_load %arg12[%swap3A_142, %swap3A_143] {strides = array<i32>} : memref<40x128xf32, #tpu.memory_space<vmem>>, vector<16xf32>,
      tpu.vector_store %arg12[%swap3A_142, %swap3A_143], %mul3A_141 {strides = array<i32>} : memref<40x128xf32, #tpu.memory_space<vmem>>, vector<16xf32>,
      %swap3A_145 = arith.index_cast %add3A_50 : i32 to index
      %swap3A_146 = arith.constant 16 : index
      %swap3A_147 = tpu.vector_load %arg11[%swap3A_145, %swap3A_146] {strides = array<i32>} : memref<40x128xi32, #tpu.memory_space<vmem>>, vector<16xi32>,
      tpu.vector_store %arg11[%swap3A_145, %swap3A_146], %get3A_103 {strides = array<i32>} : memref<40x128xi32, #tpu.memory_space<vmem>>, vector<16xi32>,
      %mul3A_148 = arith.constant 128 : i32
      %mul3A_149 = arith.muli %add3A_50, %mul3A_148 : i32
      %add3A_150 = arith.constant 32 : i32
      %add3A_151 = arith.addi %mul3A_149, %add3A_150 : i32
      %get3A_152 = arith.index_cast %add3A_151 : i32 to index
      %get3A_153 = tpu.vector_load %arg10[%get3A_152] {strides = array<i32>} : memref<5120xi32, #tpu.memory_space<vmem>>, vector<16xi32>,
      %get3A_154 = arith.index_cast %add3A_151 : i32 to index
      %get3A_155 = tpu.vector_load %arg9[%get3A_154] {strides = array<i32>} : memref<5120xi32, #tpu.memory_space<vmem>>, vector<16xi32>,
      %mul3A_156 = arith.constant 3 : i32
      %mul3A_157 = vector.broadcast %mul3A_156 : i32 to vector<16xi32>
      %mul3A_158 = arith.muli %get3A_155, %mul3A_157 : vector<16xi32>
      %mul3A_159 = arith.constant 3 : i32
      %mul3A_160 = vector.broadcast %mul3A_159 : i32 to vector<16xi32>
      %mul3A_161 = arith.muli %get3A_153, %mul3A_160 : vector<16xi32>
      %gather3A_162 = tpu.vector_load_idx %arg8[%mul3A_158] : memref<30000xf32, #tpu.memory_space<vmem>>[vector<16xi32>], vector<16xf32>,
      %add3A_163 = arith.constant 1 : i32
      %add3A_164 = vector.broadcast %add3A_163 : i32 to vector<16xi32>
      %add3A_165 = arith.addi %mul3A_158, %add3A_164 : vector<16xi32>
      %gather3A_166 = tpu.vector_load_idx %arg8[%add3A_165] : memref<30000xf32, #tpu.memory_space<vmem>>[vector<16xi32>], vector<16xf32>,
      %add3A_167 = arith.constant 2 : i32
      %add3A_168 = vector.broadcast %add3A_167 : i32 to vector<16xi32>
      %add3A_169 = arith.addi %mul3A_158, %add3A_168 : vector<16xi32>
      %gather3A_170 = tpu.vector_load_idx %arg8[%add3A_169] : memref<30000xf32, #tpu.memory_space<vmem>>[vector<16xi32>], vector<16xf32>,
      %gather3A_171 = tpu.vector_load_idx %arg8[%mul3A_161] : memref<30000xf32, #tpu.memory_space<vmem>>[vector<16xi32>], vector<16xf32>,
      %add3A_172 = arith.constant 1 : i32
      %add3A_173 = vector.broadcast %add3A_172 : i32 to vector<16xi32>
      %add3A_174 = arith.addi %mul3A_161, %add3A_173 : vector<16xi32>
      %gather3A_175 = tpu.vector_load_idx %arg8[%add3A_174] : memref<30000xf32, #tpu.memory_space<vmem>>[vector<16xi32>], vector<16xf32>,
      %add3A_176 = arith.constant 2 : i32
      %add3A_177 = vector.broadcast %add3A_176 : i32 to vector<16xi32>
      %add3A_178 = arith.addi %mul3A_161, %add3A_177 : vector<16xi32>
      %gather3A_179 = tpu.vector_load_idx %arg8[%add3A_178] : memref<30000xf32, #tpu.memory_space<vmem>>[vector<16xi32>], vector<16xf32>,
      %sub3A_180 = arith.subf %gather3A_171, %gather3A_162 : vector<16xf32>
      %sub3A_181 = arith.subf %gather3A_175, %gather3A_166 : vector<16xf32>
      %sub3A_182 = arith.subf %gather3A_179, %gather3A_170 : vector<16xf32>
      %mul3A_183 = arith.mulf %sub3A_180, %sub3A_180 : vector<16xf32>
      %mul3A_184 = arith.mulf %sub3A_181, %sub3A_181 : vector<16xf32>
      %add3A_185 = arith.addf %mul3A_183, %mul3A_184 : vector<16xf32>
      %mul3A_186 = arith.mulf %sub3A_182, %sub3A_182 : vector<16xf32>
      %add3A_187 = arith.addf %add3A_185, %mul3A_186 : vector<16xf32>
      %get3A_188 = arith.index_cast %add3A_50 : i32 to index
      %get3A_189 = arith.constant 32 : index
      %get3A_190 = tpu.vector_load %arg13[%get3A_188, %get3A_189] {strides = array<i32>} : memref<40x128xf32, #tpu.memory_space<vmem>>, vector<16xf32>,
      %mul3A_191 = arith.mulf %add3A_187, %get3A_190 : vector<16xf32>
      %swap3A_192 = arith.index_cast %add3A_50 : i32 to index
      %swap3A_193 = arith.constant 32 : index
      %swap3A_194 = tpu.vector_load %arg12[%swap3A_192, %swap3A_193] {strides = array<i32>} : memref<40x128xf32, #tpu.memory_space<vmem>>, vector<16xf32>,
      tpu.vector_store %arg12[%swap3A_192, %swap3A_193], %mul3A_191 {strides = array<i32>} : memref<40x128xf32, #tpu.memory_space<vmem>>, vector<16xf32>,
      %swap3A_195 = arith.index_cast %add3A_50 : i32 to index
      %swap3A_196 = arith.constant 32 : index
      %swap3A_197 = tpu.vector_load %arg11[%swap3A_195, %swap3A_196] {strides = array<i32>} : memref<40x128xi32, #tpu.memory_space<vmem>>, vector<16xi32>,
      tpu.vector_store %arg11[%swap3A_195, %swap3A_196], %get3A_153 {strides = array<i32>} : memref<40x128xi32, #tpu.memory_space<vmem>>, vector<16xi32>,
      %mul3A_198 = arith.constant 128 : i32
      %mul3A_199 = arith.muli %add3A_50, %mul3A_198 : i32
      %add3A_200 = arith.constant 48 : i32
      %add3A_201 = arith.addi %mul3A_199, %add3A_200 : i32
      %get3A_202 = arith.index_cast %add3A_201 : i32 to index
      %get3A_203 = tpu.vector_load %arg10[%get3A_202] {strides = array<i32>} : memref<5120xi32, #tpu.memory_space<vmem>>, vector<16xi32>,
      %get3A_204 = arith.index_cast %add3A_201 : i32 to index
      %get3A_205 = tpu.vector_load %arg9[%get3A_204] {strides = array<i32>} : memref<5120xi32, #tpu.memory_space<vmem>>, vector<16xi32>,
      %mul3A_206 = arith.constant 3 : i32
      %mul3A_207 = vector.broadcast %mul3A_206 : i32 to vector<16xi32>
      %mul3A_208 = arith.muli %get3A_205, %mul3A_207 : vector<16xi32>
      %mul3A_209 = arith.constant 3 : i32
      %mul3A_210 = vector.broadcast %mul3A_209 : i32 to vector<16xi32>
      %mul3A_211 = arith.muli %get3A_203, %mul3A_210 : vector<16xi32>
      %gather3A_212 = tpu.vector_load_idx %arg8[%mul3A_208] : memref<30000xf32, #tpu.memory_space<vmem>>[vector<16xi32>], vector<16xf32>,
      %add3A_213 = arith.constant 1 : i32
      %add3A_214 = vector.broadcast %add3A_213 : i32 to vector<16xi32>
      %add3A_215 = arith.addi %mul3A_208, %add3A_214 : vector<16xi32>
      %gather3A_216 = tpu.vector_load_idx %arg8[%add3A_215] : memref<30000xf32, #tpu.memory_space<vmem>>[vector<16xi32>], vector<16xf32>,
      %add3A_217 = arith.constant 2 : i32
      %add3A_218 = vector.broadcast %add3A_217 : i32 to vector<16xi32>
      %add3A_219 = arith.addi %mul3A_208, %add3A_218 : vector<16xi32>
      %gather3A_220 = tpu.vector_load_idx %arg8[%add3A_219] : memref<30000xf32, #tpu.memory_space<vmem>>[vector<16xi32>], vector<16xf32>,
      %gather3A_221 = tpu.vector_load_idx %arg8[%mul3A_211] : memref<30000xf32, #tpu.memory_space<vmem>>[vector<16xi32>], vector<16xf32>,
      %add3A_222 = arith.constant 1 : i32
      %add3A_223 = vector.broadcast %add3A_222 : i32 to vector<16xi32>
      %add3A_224 = arith.addi %mul3A_211, %add3A_223 : vector<16xi32>
      %gather3A_225 = tpu.vector_load_idx %arg8[%add3A_224] : memref<30000xf32, #tpu.memory_space<vmem>>[vector<16xi32>], vector<16xf32>,
      %add3A_226 = arith.constant 2 : i32
      %add3A_227 = vector.broadcast %add3A_226 : i32 to vector<16xi32>
      %add3A_228 = arith.addi %mul3A_211, %add3A_227 : vector<16xi32>
      %gather3A_229 = tpu.vector_load_idx %arg8[%add3A_228] : memref<30000xf32, #tpu.memory_space<vmem>>[vector<16xi32>], vector<16xf32>,
      %sub3A_230 = arith.subf %gather3A_221, %gather3A_212 : vector<16xf32>
      %sub3A_231 = arith.subf %gather3A_225, %gather3A_216 : vector<16xf32>
      %sub3A_232 = arith.subf %gather3A_229, %gather3A_220 : vector<16xf32>
      %mul3A_233 = arith.mulf %sub3A_230, %sub3A_230 : vector<16xf32>
      %mul3A_234 = arith.mulf %sub3A_231, %sub3A_231 : vector<16xf32>
      %add3A_235 = arith.addf %mul3A_233, %mul3A_234 : vector<16xf32>
      %mul3A_236 = arith.mulf %sub3A_232, %sub3A_232 : vector<16xf32>
      %add3A_237 = arith.addf %add3A_235, %mul3A_236 : vector<16xf32>
      %get3A_238 = arith.index_cast %add3A_50 : i32 to index
      %get3A_239 = arith.constant 48 : index
      %get3A_240 = tpu.vector_load %arg13[%get3A_238, %get3A_239] {strides = array<i32>} : memref<40x128xf32, #tpu.memory_space<vmem>>, vector<16xf32>,
      %mul3A_241 = arith.mulf %add3A_237, %get3A_240 : vector<16xf32>
      %swap3A_242 = arith.index_cast %add3A_50 : i32 to index
      %swap3A_243 = arith.constant 48 : index
      %swap3A_244 = tpu.vector_load %arg12[%swap3A_242, %swap3A_243] {strides = array<i32>} : memref<40x128xf32, #tpu.memory_space<vmem>>, vector<16xf32>,
      tpu.vector_store %arg12[%swap3A_242, %swap3A_243], %mul3A_241 {strides = array<i32>} : memref<40x128xf32, #tpu.memory_space<vmem>>, vector<16xf32>,
      %swap3A_245 = arith.index_cast %add3A_50 : i32 to index
      %swap3A_246 = arith.constant 48 : index
      %swap3A_247 = tpu.vector_load %arg11[%swap3A_245, %swap3A_246] {strides = array<i32>} : memref<40x128xi32, #tpu.memory_space<vmem>>, vector<16xi32>,
      tpu.vector_store %arg11[%swap3A_245, %swap3A_246], %get3A_203 {strides = array<i32>} : memref<40x128xi32, #tpu.memory_space<vmem>>, vector<16xi32>,
      %mul3A_248 = arith.constant 128 : i32
      %mul3A_249 = arith.muli %add3A_50, %mul3A_248 : i32
      %add3A_250 = arith.constant 64 : i32
      %add3A_251 = arith.addi %mul3A_249, %add3A_250 : i32
      %get3A_252 = arith.index_cast %add3A_251 : i32 to index
      %get3A_253 = tpu.vector_load %arg10[%get3A_252] {strides = array<i32>} : memref<5120xi32, #tpu.memory_space<vmem>>, vector<16xi32>,
      %get3A_254 = arith.index_cast %add3A_251 : i32 to index
      %get3A_255 = tpu.vector_load %arg9[%get3A_254] {strides = array<i32>} : memref<5120xi32, #tpu.memory_space<vmem>>, vector<16xi32>,
      %mul3A_256 = arith.constant 3 : i32
      %mul3A_257 = vector.broadcast %mul3A_256 : i32 to vector<16xi32>
      %mul3A_258 = arith.muli %get3A_255, %mul3A_257 : vector<16xi32>
      %mul3A_259 = arith.constant 3 : i32
      %mul3A_260 = vector.broadcast %mul3A_259 : i32 to vector<16xi32>
      %mul3A_261 = arith.muli %get3A_253, %mul3A_260 : vector<16xi32>
      %gather3A_262 = tpu.vector_load_idx %arg8[%mul3A_258] : memref<30000xf32, #tpu.memory_space<vmem>>[vector<16xi32>], vector<16xf32>,
      %add3A_263 = arith.constant 1 : i32
      %add3A_264 = vector.broadcast %add3A_263 : i32 to vector<16xi32>
      %add3A_265 = arith.addi %mul3A_258, %add3A_264 : vector<16xi32>
      %gather3A_266 = tpu.vector_load_idx %arg8[%add3A_265] : memref<30000xf32, #tpu.memory_space<vmem>>[vector<16xi32>], vector<16xf32>,
      %add3A_267 = arith.constant 2 : i32
      %add3A_268 = vector.broadcast %add3A_267 : i32 to vector<16xi32>
      %add3A_269 = arith.addi %mul3A_258, %add3A_268 : vector<16xi32>
      %gather3A_270 = tpu.vector_load_idx %arg8[%add3A_269] : memref<30000xf32, #tpu.memory_space<vmem>>[vector<16xi32>], vector<16xf32>,
      %gather3A_271 = tpu.vector_load_idx %arg8[%mul3A_261] : memref<30000xf32, #tpu.memory_space<vmem>>[vector<16xi32>], vector<16xf32>,
      %add3A_272 = arith.constant 1 : i32
      %add3A_273 = vector.broadcast %add3A_272 : i32 to vector<16xi32>
      %add3A_274 = arith.addi %mul3A_261, %add3A_273 : vector<16xi32>
      %gather3A_275 = tpu.vector_load_idx %arg8[%add3A_274] : memref<30000xf32, #tpu.memory_space<vmem>>[vector<16xi32>], vector<16xf32>,
      %add3A_276 = arith.constant 2 : i32
      %add3A_277 = vector.broadcast %add3A_276 : i32 to vector<16xi32>
      %add3A_278 = arith.addi %mul3A_261, %add3A_277 : vector<16xi32>
      %gather3A_279 = tpu.vector_load_idx %arg8[%add3A_278] : memref<30000xf32, #tpu.memory_space<vmem>>[vector<16xi32>], vector<16xf32>,
      %sub3A_280 = arith.subf %gather3A_271, %gather3A_262 : vector<16xf32>
      %sub3A_281 = arith.subf %gather3A_275, %gather3A_266 : vector<16xf32>
      %sub3A_282 = arith.subf %gather3A_279, %gather3A_270 : vector<16xf32>
      %mul3A_283 = arith.mulf %sub3A_280, %sub3A_280 : vector<16xf32>
      %mul3A_284 = arith.mulf %sub3A_281, %sub3A_281 : vector<16xf32>
      %add3A_285 = arith.addf %mul3A_283, %mul3A_284 : vector<16xf32>
      %mul3A_286 = arith.mulf %sub3A_282, %sub3A_282 : vector<16xf32>
      %add3A_287 = arith.addf %add3A_285, %mul3A_286 : vector<16xf32>
      %get3A_288 = arith.index_cast %add3A_50 : i32 to index
      %get3A_289 = arith.constant 64 : index
      %get3A_290 = tpu.vector_load %arg13[%get3A_288, %get3A_289] {strides = array<i32>} : memref<40x128xf32, #tpu.memory_space<vmem>>, vector<16xf32>,
      %mul3A_291 = arith.mulf %add3A_287, %get3A_290 : vector<16xf32>
      %swap3A_292 = arith.index_cast %add3A_50 : i32 to index
      %swap3A_293 = arith.constant 64 : index
      %swap3A_294 = tpu.vector_load %arg12[%swap3A_292, %swap3A_293] {strides = array<i32>} : memref<40x128xf32, #tpu.memory_space<vmem>>, vector<16xf32>,
      tpu.vector_store %arg12[%swap3A_292, %swap3A_293], %mul3A_291 {strides = array<i32>} : memref<40x128xf32, #tpu.memory_space<vmem>>, vector<16xf32>,
      %swap3A_295 = arith.index_cast %add3A_50 : i32 to index
      %swap3A_296 = arith.constant 64 : index
      %swap3A_297 = tpu.vector_load %arg11[%swap3A_295, %swap3A_296] {strides = array<i32>} : memref<40x128xi32, #tpu.memory_space<vmem>>, vector<16xi32>,
      tpu.vector_store %arg11[%swap3A_295, %swap3A_296], %get3A_253 {strides = array<i32>} : memref<40x128xi32, #tpu.memory_space<vmem>>, vector<16xi32>,
      %mul3A_298 = arith.constant 128 : i32
      %mul3A_299 = arith.muli %add3A_50, %mul3A_298 : i32
      %add3A_300 = arith.constant 80 : i32
      %add3A_301 = arith.addi %mul3A_299, %add3A_300 : i32
      %get3A_302 = arith.index_cast %add3A_301 : i32 to index
      %get3A_303 = tpu.vector_load %arg10[%get3A_302] {strides = array<i32>} : memref<5120xi32, #tpu.memory_space<vmem>>, vector<16xi32>,
      %get3A_304 = arith.index_cast %add3A_301 : i32 to index
      %get3A_305 = tpu.vector_load %arg9[%get3A_304] {strides = array<i32>} : memref<5120xi32, #tpu.memory_space<vmem>>, vector<16xi32>,
      %mul3A_306 = arith.constant 3 : i32
      %mul3A_307 = vector.broadcast %mul3A_306 : i32 to vector<16xi32>
      %mul3A_308 = arith.muli %get3A_305, %mul3A_307 : vector<16xi32>
      %mul3A_309 = arith.constant 3 : i32
      %mul3A_310 = vector.broadcast %mul3A_309 : i32 to vector<16xi32>
      %mul3A_311 = arith.muli %get3A_303, %mul3A_310 : vector<16xi32>
      %gather3A_312 = tpu.vector_load_idx %arg8[%mul3A_308] : memref<30000xf32, #tpu.memory_space<vmem>>[vector<16xi32>], vector<16xf32>,
      %add3A_313 = arith.constant 1 : i32
      %add3A_314 = vector.broadcast %add3A_313 : i32 to vector<16xi32>
      %add3A_315 = arith.addi %mul3A_308, %add3A_314 : vector<16xi32>
      %gather3A_316 = tpu.vector_load_idx %arg8[%add3A_315] : memref<30000xf32, #tpu.memory_space<vmem>>[vector<16xi32>], vector<16xf32>,
      %add3A_317 = arith.constant 2 : i32
      %add3A_318 = vector.broadcast %add3A_317 : i32 to vector<16xi32>
      %add3A_319 = arith.addi %mul3A_308, %add3A_318 : vector<16xi32>
      %gather3A_320 = tpu.vector_load_idx %arg8[%add3A_319] : memref<30000xf32, #tpu.memory_space<vmem>>[vector<16xi32>], vector<16xf32>,
      %gather3A_321 = tpu.vector_load_idx %arg8[%mul3A_311] : memref<30000xf32, #tpu.memory_space<vmem>>[vector<16xi32>], vector<16xf32>,
      %add3A_322 = arith.constant 1 : i32
      %add3A_323 = vector.broadcast %add3A_322 : i32 to vector<16xi32>
      %add3A_324 = arith.addi %mul3A_311, %add3A_323 : vector<16xi32>
      %gather3A_325 = tpu.vector_load_idx %arg8[%add3A_324] : memref<30000xf32, #tpu.memory_space<vmem>>[vector<16xi32>], vector<16xf32>,
      %add3A_326 = arith.constant 2 : i32
      %add3A_327 = vector.broadcast %add3A_326 : i32 to vector<16xi32>
      %add3A_328 = arith.addi %mul3A_311, %add3A_327 : vector<16xi32>
      %gather3A_329 = tpu.vector_load_idx %arg8[%add3A_328] : memref<30000xf32, #tpu.memory_space<vmem>>[vector<16xi32>], vector<16xf32>,
      %sub3A_330 = arith.subf %gather3A_321, %gather3A_312 : vector<16xf32>
      %sub3A_331 = arith.subf %gather3A_325, %gather3A_316 : vector<16xf32>
      %sub3A_332 = arith.subf %gather3A_329, %gather3A_320 : vector<16xf32>
      %mul3A_333 = arith.mulf %sub3A_330, %sub3A_330 : vector<16xf32>
      %mul3A_334 = arith.mulf %sub3A_331, %sub3A_331 : vector<16xf32>
      %add3A_335 = arith.addf %mul3A_333, %mul3A_334 : vector<16xf32>
      %mul3A_336 = arith.mulf %sub3A_332, %sub3A_332 : vector<16xf32>
      %add3A_337 = arith.addf %add3A_335, %mul3A_336 : vector<16xf32>
      %get3A_338 = arith.index_cast %add3A_50 : i32 to index
      %get3A_339 = arith.constant 80 : index
      %get3A_340 = tpu.vector_load %arg13[%get3A_338, %get3A_339] {strides = array<i32>} : memref<40x128xf32, #tpu.memory_space<vmem>>, vector<16xf32>,
      %mul3A_341 = arith.mulf %add3A_337, %get3A_340 : vector<16xf32>
      %swap3A_342 = arith.index_cast %add3A_50 : i32 to index
      %swap3A_343 = arith.constant 80 : index
      %swap3A_344 = tpu.vector_load %arg12[%swap3A_342, %swap3A_343] {strides = array<i32>} : memref<40x128xf32, #tpu.memory_space<vmem>>, vector<16xf32>,
      tpu.vector_store %arg12[%swap3A_342, %swap3A_343], %mul3A_341 {strides = array<i32>} : memref<40x128xf32, #tpu.memory_space<vmem>>, vector<16xf32>,
      %swap3A_345 = arith.index_cast %add3A_50 : i32 to index
      %swap3A_346 = arith.constant 80 : index
      %swap3A_347 = tpu.vector_load %arg11[%swap3A_345, %swap3A_346] {strides = array<i32>} : memref<40x128xi32, #tpu.memory_space<vmem>>, vector<16xi32>,
      tpu.vector_store %arg11[%swap3A_345, %swap3A_346], %get3A_303 {strides = array<i32>} : memref<40x128xi32, #tpu.memory_space<vmem>>, vector<16xi32>,
      %mul3A_348 = arith.constant 128 : i32
      %mul3A_349 = arith.muli %add3A_50, %mul3A_348 : i32
      %add3A_350 = arith.constant 96 : i32
      %add3A_351 = arith.addi %mul3A_349, %add3A_350 : i32
      %get3A_352 = arith.index_cast %add3A_351 : i32 to index
      %get3A_353 = tpu.vector_load %arg10[%get3A_352] {strides = array<i32>} : memref<5120xi32, #tpu.memory_space<vmem>>, vector<16xi32>,
      %get3A_354 = arith.index_cast %add3A_351 : i32 to index
      %get3A_355 = tpu.vector_load %arg9[%get3A_354] {strides = array<i32>} : memref<5120xi32, #tpu.memory_space<vmem>>, vector<16xi32>,
      %mul3A_356 = arith.constant 3 : i32
      %mul3A_357 = vector.broadcast %mul3A_356 : i32 to vector<16xi32>
      %mul3A_358 = arith.muli %get3A_355, %mul3A_357 : vector<16xi32>
      %mul3A_359 = arith.constant 3 : i32
      %mul3A_360 = vector.broadcast %mul3A_359 : i32 to vector<16xi32>
      %mul3A_361 = arith.muli %get3A_353, %mul3A_360 : vector<16xi32>
      %gather3A_362 = tpu.vector_load_idx %arg8[%mul3A_358] : memref<30000xf32, #tpu.memory_space<vmem>>[vector<16xi32>], vector<16xf32>,
      %add3A_363 = arith.constant 1 : i32
      %add3A_364 = vector.broadcast %add3A_363 : i32 to vector<16xi32>
      %add3A_365 = arith.addi %mul3A_358, %add3A_364 : vector<16xi32>
      %gather3A_366 = tpu.vector_load_idx %arg8[%add3A_365] : memref<30000xf32, #tpu.memory_space<vmem>>[vector<16xi32>], vector<16xf32>,
      %add3A_367 = arith.constant 2 : i32
      %add3A_368 = vector.broadcast %add3A_367 : i32 to vector<16xi32>
      %add3A_369 = arith.addi %mul3A_358, %add3A_368 : vector<16xi32>
      %gather3A_370 = tpu.vector_load_idx %arg8[%add3A_369] : memref<30000xf32, #tpu.memory_space<vmem>>[vector<16xi32>], vector<16xf32>,
      %gather3A_371 = tpu.vector_load_idx %arg8[%mul3A_361] : memref<30000xf32, #tpu.memory_space<vmem>>[vector<16xi32>], vector<16xf32>,
      %add3A_372 = arith.constant 1 : i32
      %add3A_373 = vector.broadcast %add3A_372 : i32 to vector<16xi32>
      %add3A_374 = arith.addi %mul3A_361, %add3A_373 : vector<16xi32>
      %gather3A_375 = tpu.vector_load_idx %arg8[%add3A_374] : memref<30000xf32, #tpu.memory_space<vmem>>[vector<16xi32>], vector<16xf32>,
      %add3A_376 = arith.constant 2 : i32
      %add3A_377 = vector.broadcast %add3A_376 : i32 to vector<16xi32>
      %add3A_378 = arith.addi %mul3A_361, %add3A_377 : vector<16xi32>
      %gather3A_379 = tpu.vector_load_idx %arg8[%add3A_378] : memref<30000xf32, #tpu.memory_space<vmem>>[vector<16xi32>], vector<16xf32>,
      %sub3A_380 = arith.subf %gather3A_371, %gather3A_362 : vector<16xf32>
      %sub3A_381 = arith.subf %gather3A_375, %gather3A_366 : vector<16xf32>
      %sub3A_382 = arith.subf %gather3A_379, %gather3A_370 : vector<16xf32>
      %mul3A_383 = arith.mulf %sub3A_380, %sub3A_380 : vector<16xf32>
      %mul3A_384 = arith.mulf %sub3A_381, %sub3A_381 : vector<16xf32>
      %add3A_385 = arith.addf %mul3A_383, %mul3A_384 : vector<16xf32>
      %mul3A_386 = arith.mulf %sub3A_382, %sub3A_382 : vector<16xf32>
      %add3A_387 = arith.addf %add3A_385, %mul3A_386 : vector<16xf32>
      %get3A_388 = arith.index_cast %add3A_50 : i32 to index
      %get3A_389 = arith.constant 96 : index
      %get3A_390 = tpu.vector_load %arg13[%get3A_388, %get3A_389] {strides = array<i32>} : memref<40x128xf32, #tpu.memory_space<vmem>>, vector<16xf32>,
      %mul3A_391 = arith.mulf %add3A_387, %get3A_390 : vector<16xf32>
      %swap3A_392 = arith.index_cast %add3A_50 : i32 to index
      %swap3A_393 = arith.constant 96 : index
      %swap3A_394 = tpu.vector_load %arg12[%swap3A_392, %swap3A_393] {strides = array<i32>} : memref<40x128xf32, #tpu.memory_space<vmem>>, vector<16xf32>,
      tpu.vector_store %arg12[%swap3A_392, %swap3A_393], %mul3A_391 {strides = array<i32>} : memref<40x128xf32, #tpu.memory_space<vmem>>, vector<16xf32>,
      %swap3A_395 = arith.index_cast %add3A_50 : i32 to index
      %swap3A_396 = arith.constant 96 : index
      %swap3A_397 = tpu.vector_load %arg11[%swap3A_395, %swap3A_396] {strides = array<i32>} : memref<40x128xi32, #tpu.memory_space<vmem>>, vector<16xi32>,
      tpu.vector_store %arg11[%swap3A_395, %swap3A_396], %get3A_353 {strides = array<i32>} : memref<40x128xi32, #tpu.memory_space<vmem>>, vector<16xi32>,
      %mul3A_398 = arith.constant 128 : i32
      %mul3A_399 = arith.muli %add3A_50, %mul3A_398 : i32
      %add3A_400 = arith.constant 112 : i32
      %add3A_401 = arith.addi %mul3A_399, %add3A_400 : i32
      %get3A_402 = arith.index_cast %add3A_401 : i32 to index
      %get3A_403 = tpu.vector_load %arg10[%get3A_402] {strides = array<i32>} : memref<5120xi32, #tpu.memory_space<vmem>>, vector<16xi32>,
      %get3A_404 = arith.index_cast %add3A_401 : i32 to index
      %get3A_405 = tpu.vector_load %arg9[%get3A_404] {strides = array<i32>} : memref<5120xi32, #tpu.memory_space<vmem>>, vector<16xi32>,
      %mul3A_406 = arith.constant 3 : i32
      %mul3A_407 = vector.broadcast %mul3A_406 : i32 to vector<16xi32>
      %mul3A_408 = arith.muli %get3A_405, %mul3A_407 : vector<16xi32>
      %mul3A_409 = arith.constant 3 : i32
      %mul3A_410 = vector.broadcast %mul3A_409 : i32 to vector<16xi32>
      %mul3A_411 = arith.muli %get3A_403, %mul3A_410 : vector<16xi32>
      %gather3A_412 = tpu.vector_load_idx %arg8[%mul3A_408] : memref<30000xf32, #tpu.memory_space<vmem>>[vector<16xi32>], vector<16xf32>,
      %add3A_413 = arith.constant 1 : i32
      %add3A_414 = vector.broadcast %add3A_413 : i32 to vector<16xi32>
      %add3A_415 = arith.addi %mul3A_408, %add3A_414 : vector<16xi32>
      %gather3A_416 = tpu.vector_load_idx %arg8[%add3A_415] : memref<30000xf32, #tpu.memory_space<vmem>>[vector<16xi32>], vector<16xf32>,
      %add3A_417 = arith.constant 2 : i32
      %add3A_418 = vector.broadcast %add3A_417 : i32 to vector<16xi32>
      %add3A_419 = arith.addi %mul3A_408, %add3A_418 : vector<16xi32>
      %gather3A_420 = tpu.vector_load_idx %arg8[%add3A_419] : memref<30000xf32, #tpu.memory_space<vmem>>[vector<16xi32>], vector<16xf32>,
      %gather3A_421 = tpu.vector_load_idx %arg8[%mul3A_411] : memref<30000xf32, #tpu.memory_space<vmem>>[vector<16xi32>], vector<16xf32>,
      %add3A_422 = arith.constant 1 : i32
      %add3A_423 = vector.broadcast %add3A_422 : i32 to vector<16xi32>
      %add3A_424 = arith.addi %mul3A_411, %add3A_423 : vector<16xi32>
      %gather3A_425 = tpu.vector_load_idx %arg8[%add3A_424] : memref<30000xf32, #tpu.memory_space<vmem>>[vector<16xi32>], vector<16xf32>,
      %add3A_426 = arith.constant 2 : i32
      %add3A_427 = vector.broadcast %add3A_426 : i32 to vector<16xi32>
      %add3A_428 = arith.addi %mul3A_411, %add3A_427 : vector<16xi32>
      %gather3A_429 = tpu.vector_load_idx %arg8[%add3A_428] : memref<30000xf32, #tpu.memory_space<vmem>>[vector<16xi32>], vector<16xf32>,
      %sub3A_430 = arith.subf %gather3A_421, %gather3A_412 : vector<16xf32>
      %sub3A_431 = arith.subf %gather3A_425, %gather3A_416 : vector<16xf32>
      %sub3A_432 = arith.subf %gather3A_429, %gather3A_420 : vector<16xf32>
      %mul3A_433 = arith.mulf %sub3A_430, %sub3A_430 : vector<16xf32>
      %mul3A_434 = arith.mulf %sub3A_431, %sub3A_431 : vector<16xf32>
      %add3A_435 = arith.addf %mul3A_433, %mul3A_434 : vector<16xf32>
      %mul3A_436 = arith.mulf %sub3A_432, %sub3A_432 : vector<16xf32>
      %add3A_437 = arith.addf %add3A_435, %mul3A_436 : vector<16xf32>
      %get3A_438 = arith.index_cast %add3A_50 : i32 to index
      %get3A_439 = arith.constant 112 : index
      %get3A_440 = tpu.vector_load %arg13[%get3A_438, %get3A_439] {strides = array<i32>} : memref<40x128xf32, #tpu.memory_space<vmem>>, vector<16xf32>,
      %mul3A_441 = arith.mulf %add3A_437, %get3A_440 : vector<16xf32>
      %swap3A_442 = arith.index_cast %add3A_50 : i32 to index
      %swap3A_443 = arith.constant 112 : index
      %swap3A_444 = tpu.vector_load %arg12[%swap3A_442, %swap3A_443] {strides = array<i32>} : memref<40x128xf32, #tpu.memory_space<vmem>>, vector<16xf32>,
      tpu.vector_store %arg12[%swap3A_442, %swap3A_443], %mul3A_441 {strides = array<i32>} : memref<40x128xf32, #tpu.memory_space<vmem>>, vector<16xf32>,
      %swap3A_445 = arith.index_cast %add3A_50 : i32 to index
      %swap3A_446 = arith.constant 112 : index
      %swap3A_447 = tpu.vector_load %arg11[%swap3A_445, %swap3A_446] {strides = array<i32>} : memref<40x128xi32, #tpu.memory_space<vmem>>, vector<16xi32>,
      tpu.vector_store %arg11[%swap3A_445, %swap3A_446], %get3A_403 {strides = array<i32>} : memref<40x128xi32, #tpu.memory_space<vmem>>, vector<16xi32>,
      %dma_start3A = arith.constant 0 : i32
      %dma_start3A_448 = tpu.memref_slice %arg12[%add3A_50, %dma_start3A] : memref<40x128xf32, #tpu.memory_space<vmem>> -> memref<1x128xf32, #tpu.memory_space<vmem>>
      %dma_start3A_449 = tpu.memref_squeeze %dma_start3A_448 : memref<1x128xf32, #tpu.memory_space<vmem>> -> memref<128xf32, #tpu.memory_space<vmem>>
      %dma_start3A_450 = arith.constant 0 : i32
      %dma_start3A_451 = tpu.memref_slice %arg11[%add3A_50, %dma_start3A_450] : memref<40x128xi32, #tpu.memory_space<vmem>> -> memref<1x128xi32, #tpu.memory_space<vmem>>
      %dma_start3A_452 = tpu.memref_squeeze %dma_start3A_451 : memref<1x128xi32, #tpu.memory_space<vmem>> -> memref<128xi32, #tpu.memory_space<vmem>>
      %dma_start3A_453 = arith.constant 0 : i32
      %dma_start3A_454 = tpu.memref_slice %arg14[%dma_start3A_453] : memref<10000xf32, #tpu.memory_space<vmem_shared>> -> memref<10000xf32, #tpu.memory_space<vmem_shared>>
      tpu.enqueue_indirect_dma source(%dma_start3A_449 : memref<128xf32, #tpu.memory_space<vmem>>) target(%dma_start3A_454 : memref<10000xf32, #tpu.memory_space<vmem_shared>>) offsets(%dma_start3A_452 : memref<128xi32, #tpu.memory_space<vmem>>) semaphore(%arg15 : memref<!tpu.dma_semaphore, #tpu.memory_space<semaphore_mem>>) {add = true}
    }
    %sub3A_22 = arith.constant 40 : i32
    %sub3A_23 = arith.constant 0 : i32
    %sub3A_24 = arith.subi %sub3A_22, %sub3A_23 : i32
    %sub3A_25 = arith.constant 1 : i32
    %sub3A_26 = arith.constant 1 : i32
    %sub3A_27 = arith.subi %sub3A_25, %sub3A_26 : i32
    %add3A_28 = arith.addi %sub3A_24, %sub3A_27 : i32
    %div3A_29 = arith.constant 1 : i32
    %div3A_30 = arith.divsi %add3A_28, %div3A_29 : i32
    %while3A_31 = arith.constant 1 : i32
    %while3A_32 = arith.constant 0 : i32
    %while3A_33 = arith.constant 0 : i32
    %while3A_34 = arith.subi %div3A_30, %while3A_33 : i32
    %while3A_35 = arith.addi %while3A_33, %while3A_34 : i32
    %while3A_36 = arith.constant 1 : i32
    %while3A_37 = arith.divsi %while3A_34, %while3A_36 : i32
    %while3A_38 = arith.muli %while3A_37, %while3A_36 : i32
    %while3A_39 = arith.addi %while3A_33, %while3A_38 : i32
    %while3A_40 = arith.constant 1 : i32
    scf.for %while3A_48 = %while3A_33 to %while3A_39 step %while3A_40  : i32 {
      %mul3A_49 = arith.muli %while3A_48, %while3A_31 : i32
      %add3A_50 = arith.addi %while3A_32, %mul3A_49 : i32
      %dma_wait3A = arith.constant 0 : i32
      %dma_wait3A_51 = tpu.memref_slice %arg12[%add3A_50, %dma_wait3A] : memref<40x128xf32, #tpu.memory_space<vmem>> -> memref<1x128xf32, #tpu.memory_space<vmem>>
      %dma_wait3A_52 = tpu.memref_squeeze %dma_wait3A_51 : memref<1x128xf32, #tpu.memory_space<vmem>> -> memref<128xf32, #tpu.memory_space<vmem>>
      %dma_wait3A_53 = arith.constant 0 : i32
      %dma_wait3A_54 = tpu.memref_slice %arg11[%add3A_50, %dma_wait3A_53] : memref<40x128xi32, #tpu.memory_space<vmem>> -> memref<1x128xi32, #tpu.memory_space<vmem>>
      %dma_wait3A_55 = tpu.memref_squeeze %dma_wait3A_54 : memref<1x128xi32, #tpu.memory_space<vmem>> -> memref<128xi32, #tpu.memory_space<vmem>>
      %dma_wait3A_56 = arith.constant 0 : i32
      %dma_wait3A_57 = tpu.memref_slice %arg14[%dma_wait3A_56] : memref<10000xf32, #tpu.memory_space<vmem_shared>> -> memref<10000xf32, #tpu.memory_space<vmem_shared>>
      tpu.wait_indirect_dma semaphore(%arg15 : memref<!tpu.dma_semaphore, #tpu.memory_space<semaphore_mem>>) src(%dma_wait3A_52 : memref<128xf32, #tpu.memory_space<vmem>>) dst(%dma_wait3A_57 : memref<10000xf32, #tpu.memory_space<vmem_shared>>)
    }
    %while3A_41 = arith.constant 1 : i32
    scf.for %while3A_48 = %while3A_39 to %while3A_35 step %while3A_41  : i32 {
      %mul3A_49 = arith.muli %while3A_48, %while3A_31 : i32
      %add3A_50 = arith.addi %while3A_32, %mul3A_49 : i32
      %dma_wait3A = arith.constant 0 : i32
      %dma_wait3A_51 = tpu.memref_slice %arg12[%add3A_50, %dma_wait3A] : memref<40x128xf32, #tpu.memory_space<vmem>> -> memref<1x128xf32, #tpu.memory_space<vmem>>
      %dma_wait3A_52 = tpu.memref_squeeze %dma_wait3A_51 : memref<1x128xf32, #tpu.memory_space<vmem>> -> memref<128xf32, #tpu.memory_space<vmem>>
      %dma_wait3A_53 = arith.constant 0 : i32
      %dma_wait3A_54 = tpu.memref_slice %arg11[%add3A_50, %dma_wait3A_53] : memref<40x128xi32, #tpu.memory_space<vmem>> -> memref<1x128xi32, #tpu.memory_space<vmem>>
      %dma_wait3A_55 = tpu.memref_squeeze %dma_wait3A_54 : memref<1x128xi32, #tpu.memory_space<vmem>> -> memref<128xi32, #tpu.memory_space<vmem>>
      %dma_wait3A_56 = arith.constant 0 : i32
      %dma_wait3A_57 = tpu.memref_slice %arg14[%dma_wait3A_56] : memref<10000xf32, #tpu.memory_space<vmem_shared>> -> memref<10000xf32, #tpu.memory_space<vmem_shared>>
      tpu.wait_indirect_dma semaphore(%arg15 : memref<!tpu.dma_semaphore, #tpu.memory_space<semaphore_mem>>) src(%dma_wait3A_52 : memref<128xf32, #tpu.memory_space<vmem>>) dst(%dma_wait3A_57 : memref<10000xf32, #tpu.memory_space<vmem_shared>>)
    }
    %barrier3A_42 = arith.constant 0 : index
    tpu.barrier barrier_id(%barrier3A_42)
    %eq3A_43 = arith.constant 0 : i32
    %eq3A_44 = arith.cmpi eq, %arg1, %eq3A_43 : i32
    %convert_element_type3A_45 = arith.extui %eq3A_44 : i1 to i32
    %cond3A_46 = arith.constant 0 : i32
    %cond3A_47 = arith.cmpi ne, %convert_element_type3A_45, %cond3A_46 : i32
    scf.if %cond3A_47 {
      "tpu.region"() ({
        %run_scoped3A = tpu.sem_alloc : memref<!tpu.dma_semaphore, #tpu.memory_space<semaphore_mem>>
        %dma_start3A = arith.constant 0 : i32
        %dma_start3A_48 = tpu.memref_slice %arg7[%arg0, %dma_start3A] : memref<2x10000xf32, #tpu.memory_space<hbm>> -> memref<1x10000xf32, #tpu.memory_space<hbm>>
        %dma_start3A_49 = tpu.memref_squeeze %dma_start3A_48 : memref<1x10000xf32, #tpu.memory_space<hbm>> -> memref<10000xf32, #tpu.memory_space<hbm>>
        tpu.enqueue_dma source(%arg14 : memref<10000xf32, #tpu.memory_space<vmem_shared>>) target(%dma_start3A_49 : memref<10000xf32, #tpu.memory_space<hbm>>) target_semaphore(%run_scoped3A : memref<!tpu.dma_semaphore, #tpu.memory_space<semaphore_mem>>)
        %dma_wait3A = arith.constant 0 : i32
        %dma_wait3A_50 = tpu.memref_slice %arg7[%arg0, %dma_wait3A] : memref<2x10000xf32, #tpu.memory_space<hbm>> -> memref<1x10000xf32, #tpu.memory_space<hbm>>
        %dma_wait3A_51 = tpu.memref_squeeze %dma_wait3A_50 : memref<1x10000xf32, #tpu.memory_space<hbm>> -> memref<10000xf32, #tpu.memory_space<hbm>>
        tpu.wait_dma2 semaphore(%run_scoped3A : memref<!tpu.dma_semaphore, #tpu.memory_space<semaphore_mem>>) src(%arg14 : memref<10000xf32, #tpu.memory_space<vmem_shared>>) dst(%dma_wait3A_51 : memref<10000xf32, #tpu.memory_space<hbm>>)
        tpu.yield
      }) : () -> ()
    } else {
    }
    return
  }
}

module attributes {stable_mosaic.version = 14 : i64} {
  func.func @_tc_body(%arg0: i32, %arg1: memref<2000x128xf32, #tpu.memory_space<vmem>>, %arg2: memref<1x1x2000xf32, #tpu.memory_space<vmem>>, %arg3: memref<2x3x128x128xf32, #tpu.memory_space<vmem>>, %arg4: memref<2x6x128xf32, #tpu.memory_space<vmem>>, %arg5: memref<2000x128xf32, #tpu.memory_space<vmem>>) attributes {dimension_semantics = [#tpu.dimension_semantics<arbitrary>], iteration_bounds = array<i64: 5>, scalar_prefetch = 0 : i64, scratch_operands = 0 : i64, tpu.core_type = #tpu.core_type<tc>, window_params = [{transform_indices = @transform_0, window_bounds = array<i64: 2000, 128>}, {transform_indices = @transform_1, window_bounds = array<i64: 1, 1, 2000>}, {pipeline_mode = #tpu.pipeline_mode<synchronous>, transform_indices = @transform_2, window_bounds = array<i64: 2, 3, 128, 128>}, {pipeline_mode = #tpu.pipeline_mode<synchronous>, transform_indices = @transform_3, window_bounds = array<i64: 2, 6, 128>}, {transform_indices = @transform_4, window_bounds = array<i64: 2000, 128>}]} {
    %get3A = arith.constant 0 : index
    %get3A_0 = arith.constant 0 : index
    %get3A_1 = vector.load %arg1[%get3A, %get3A_0] : memref<2000x128xf32, #tpu.memory_space<vmem>>, vector<2000x128xf32>
    %get3A_2 = arith.constant 0 : index
    %get3A_3 = arith.constant 0 : index
    %get3A_4 = arith.constant 0 : index
    %get3A_5 = vector.load %arg2[%get3A_2, %get3A_3, %get3A_4] : memref<1x1x2000xf32, #tpu.memory_space<vmem>>, vector<1x1x2000xf32>
    %get3A_6 = vector.shape_cast %get3A_5 : vector<1x1x2000xf32> to vector<1x2000xf32>
    %get3A_7 = arith.constant 0 : index
    %get3A_8 = arith.constant 0 : index
    %get3A_9 = arith.constant 0 : index
    %get3A_10 = vector.load %arg4[%get3A_7, %get3A_8, %get3A_9] : memref<2x6x128xf32, #tpu.memory_space<vmem>>, vector<1x1x128xf32>
    %get3A_11 = vector.shape_cast %get3A_10 : vector<1x1x128xf32> to vector<1x128xf32>
    %get3A_12 = arith.constant 0 : index
    %get3A_13 = arith.constant 1 : index
    %get3A_14 = arith.constant 0 : index
    %get3A_15 = vector.load %arg4[%get3A_12, %get3A_13, %get3A_14] : memref<2x6x128xf32, #tpu.memory_space<vmem>>, vector<1x1x128xf32>
    %get3A_16 = vector.shape_cast %get3A_15 : vector<1x1x128xf32> to vector<1x128xf32>
    %get3A_17 = arith.constant 0 : index
    %get3A_18 = arith.constant 2 : index
    %get3A_19 = arith.constant 0 : index
    %get3A_20 = vector.load %arg4[%get3A_17, %get3A_18, %get3A_19] : memref<2x6x128xf32, #tpu.memory_space<vmem>>, vector<1x1x128xf32>
    %get3A_21 = vector.shape_cast %get3A_20 : vector<1x1x128xf32> to vector<1x128xf32>
    %get3A_22 = arith.constant 0 : index
    %get3A_23 = arith.constant 3 : index
    %get3A_24 = arith.constant 0 : index
    %get3A_25 = vector.load %arg4[%get3A_22, %get3A_23, %get3A_24] : memref<2x6x128xf32, #tpu.memory_space<vmem>>, vector<1x1x128xf32>
    %get3A_26 = vector.shape_cast %get3A_25 : vector<1x1x128xf32> to vector<1x128xf32>
    %get3A_27 = arith.constant 0 : index
    %get3A_28 = arith.constant 4 : index
    %get3A_29 = arith.constant 0 : index
    %get3A_30 = vector.load %arg4[%get3A_27, %get3A_28, %get3A_29] : memref<2x6x128xf32, #tpu.memory_space<vmem>>, vector<1x1x128xf32>
    %get3A_31 = vector.shape_cast %get3A_30 : vector<1x1x128xf32> to vector<1x128xf32>
    %get3A_32 = arith.constant 0 : index
    %get3A_33 = arith.constant 5 : index
    %get3A_34 = arith.constant 0 : index
    %get3A_35 = vector.load %arg4[%get3A_32, %get3A_33, %get3A_34] : memref<2x6x128xf32, #tpu.memory_space<vmem>>, vector<1x1x128xf32>
    %get3A_36 = vector.shape_cast %get3A_35 : vector<1x1x128xf32> to vector<1x128xf32>
    %get3A_37 = arith.constant 0 : index
    %get3A_38 = arith.constant 0 : index
    %get3A_39 = arith.constant 0 : index
    %get3A_40 = arith.constant 0 : index
    %get3A_41 = vector.load %arg3[%get3A_37, %get3A_38, %get3A_39, %get3A_40] : memref<2x3x128x128xf32, #tpu.memory_space<vmem>>, vector<1x1x128x128xf32>
    %get3A_42 = vector.shape_cast %get3A_41 : vector<1x1x128x128xf32> to vector<128x128xf32>
    %dot_general3A = arith.constant dense<0.000000e+00> : vector<2000x128xf32>
    %dot_general3A_43 = tpu.matmul %get3A_1, %get3A_42, %dot_general3A {dimension_numbers = #tpu.dot_dimension_numbers<[1], [0], [0], [1], [0, 0, 1, 1], [], []>, transpose_lhs_hint = false} : vector<2000x128xf32>, vector<128x128xf32>, vector<2000x128xf32> -> vector<2000x128xf32>
    %dot_general3A_44 = arith.constant dense<0.000000e+00> : vector<2000x128xf32>
    %dot_general3A_45 = tpu.matmul %get3A_6, %get3A_11, %dot_general3A_44 {dimension_numbers = #tpu.dot_dimension_numbers<[0], [0], [1], [1], [0, 1, 1, 1], [], []>, transpose_lhs_hint = false} : vector<1x2000xf32>, vector<1x128xf32>, vector<2000x128xf32> -> vector<2000x128xf32>
    %add3A = arith.addf %dot_general3A_43, %dot_general3A_45 : vector<2000x128xf32>
    %add3A_46 = vector.broadcast %get3A_16 : vector<1x128xf32> to vector<2000x128xf32>
    %add3A_47 = arith.addf %add3A, %add3A_46 : vector<2000x128xf32>
    %max3A = arith.constant 0.000000e+00 : f32
    %max3A_48 = vector.broadcast %max3A : f32 to vector<2000x128xf32>
    %max3A_49 = arith.maximumf %add3A_47, %max3A_48 : vector<2000x128xf32>
    %get3A_50 = arith.constant 0 : index
    %get3A_51 = arith.constant 1 : index
    %get3A_52 = arith.constant 0 : index
    %get3A_53 = arith.constant 0 : index
    %get3A_54 = vector.load %arg3[%get3A_50, %get3A_51, %get3A_52, %get3A_53] : memref<2x3x128x128xf32, #tpu.memory_space<vmem>>, vector<1x1x128x128xf32>
    %get3A_55 = vector.shape_cast %get3A_54 : vector<1x1x128x128xf32> to vector<128x128xf32>
    %dot_general3A_56 = arith.constant dense<0.000000e+00> : vector<2000x128xf32>
    %dot_general3A_57 = tpu.matmul %max3A_49, %get3A_55, %dot_general3A_56 {dimension_numbers = #tpu.dot_dimension_numbers<[1], [0], [0], [1], [0, 0, 1, 1], [], []>, transpose_lhs_hint = false} : vector<2000x128xf32>, vector<128x128xf32>, vector<2000x128xf32> -> vector<2000x128xf32>
    %add3A_58 = vector.broadcast %get3A_21 : vector<1x128xf32> to vector<2000x128xf32>
    %add3A_59 = arith.addf %dot_general3A_57, %add3A_58 : vector<2000x128xf32>
    %max3A_60 = arith.constant 0.000000e+00 : f32
    %max3A_61 = vector.broadcast %max3A_60 : f32 to vector<2000x128xf32>
    %max3A_62 = arith.maximumf %add3A_59, %max3A_61 : vector<2000x128xf32>
    %get3A_63 = arith.constant 0 : index
    %get3A_64 = arith.constant 2 : index
    %get3A_65 = arith.constant 0 : index
    %get3A_66 = arith.constant 0 : index
    %get3A_67 = vector.load %arg3[%get3A_63, %get3A_64, %get3A_65, %get3A_66] : memref<2x3x128x128xf32, #tpu.memory_space<vmem>>, vector<1x1x128x128xf32>
    %get3A_68 = vector.shape_cast %get3A_67 : vector<1x1x128x128xf32> to vector<128x128xf32>
    %dot_general3A_69 = arith.constant dense<0.000000e+00> : vector<2000x128xf32>
    %dot_general3A_70 = tpu.matmul %max3A_62, %get3A_68, %dot_general3A_69 {dimension_numbers = #tpu.dot_dimension_numbers<[1], [0], [0], [1], [0, 0, 1, 1], [], []>, transpose_lhs_hint = false} : vector<2000x128xf32>, vector<128x128xf32>, vector<2000x128xf32> -> vector<2000x128xf32>
    %add3A_71 = vector.broadcast %get3A_26 : vector<1x128xf32> to vector<2000x128xf32>
    %add3A_72 = arith.addf %dot_general3A_70, %add3A_71 : vector<2000x128xf32>
    %reduce_sum3A = arith.constant dense<0.000000e+00> : vector<2000xf32>
    %reduce_sum3A_73 = vector.multi_reduction <add>, %add3A_72, %reduce_sum3A [1] : vector<2000x128xf32> to vector<2000xf32>
    %broadcast_in_dim3A = vector.shape_cast %reduce_sum3A_73 : vector<2000xf32> to vector<2000x1xf32>
    %div3A = arith.constant 1.280000e+02 : f32
    %div3A_74 = vector.broadcast %div3A : f32 to vector<2000x1xf32>
    %div3A_75 = arith.divf %broadcast_in_dim3A, %div3A_74 : vector<2000x1xf32>
    %sub3A = vector.broadcast %div3A_75 : vector<2000x1xf32> to vector<2000x128xf32>
    %sub3A_76 = arith.subf %add3A_72, %sub3A : vector<2000x128xf32>
    %mul3A = arith.mulf %sub3A_76, %sub3A_76 : vector<2000x128xf32>
    %reduce_sum3A_77 = arith.constant dense<0.000000e+00> : vector<2000xf32>
    %reduce_sum3A_78 = vector.multi_reduction <add>, %mul3A, %reduce_sum3A_77 [1] : vector<2000x128xf32> to vector<2000xf32>
    %broadcast_in_dim3A_79 = vector.shape_cast %reduce_sum3A_78 : vector<2000xf32> to vector<2000x1xf32>
    %div3A_80 = arith.constant 1.280000e+02 : f32
    %div3A_81 = vector.broadcast %div3A_80 : f32 to vector<2000x1xf32>
    %div3A_82 = arith.divf %broadcast_in_dim3A_79, %div3A_81 : vector<2000x1xf32>
    %add3A_83 = arith.constant 9.99999974E-6 : f32
    %add3A_84 = vector.broadcast %add3A_83 : f32 to vector<2000x1xf32>
    %add3A_85 = arith.addf %div3A_82, %add3A_84 : vector<2000x1xf32>
    %sqrt3A = math.sqrt %add3A_85 : vector<2000x1xf32>
    %div3A_86 = vector.broadcast %sqrt3A : vector<2000x1xf32> to vector<2000x128xf32>
    %div3A_87 = arith.divf %sub3A_76, %div3A_86 : vector<2000x128xf32>
    %mul3A_88 = vector.broadcast %get3A_31 : vector<1x128xf32> to vector<2000x128xf32>
    %mul3A_89 = arith.mulf %div3A_87, %mul3A_88 : vector<2000x128xf32>
    %add3A_90 = vector.broadcast %get3A_36 : vector<1x128xf32> to vector<2000x128xf32>
    %add3A_91 = arith.addf %mul3A_89, %add3A_90 : vector<2000x128xf32>
    %add3A_92 = arith.addf %get3A_1, %add3A_91 : vector<2000x128xf32>
    %get3A_93 = arith.constant 0 : index
    %get3A_94 = arith.constant 0 : index
    %get3A_95 = arith.constant 0 : index
    %get3A_96 = vector.load %arg2[%get3A_93, %get3A_94, %get3A_95] : memref<1x1x2000xf32, #tpu.memory_space<vmem>>, vector<1x1x2000xf32>
    %get3A_97 = vector.shape_cast %get3A_96 : vector<1x1x2000xf32> to vector<1x2000xf32>
    %get3A_98 = arith.constant 1 : index
    %get3A_99 = arith.constant 0 : index
    %get3A_100 = arith.constant 0 : index
    %get3A_101 = vector.load %arg4[%get3A_98, %get3A_99, %get3A_100] : memref<2x6x128xf32, #tpu.memory_space<vmem>>, vector<1x1x128xf32>
    %get3A_102 = vector.shape_cast %get3A_101 : vector<1x1x128xf32> to vector<1x128xf32>
    %get3A_103 = arith.constant 1 : index
    %get3A_104 = arith.constant 1 : index
    %get3A_105 = arith.constant 0 : index
    %get3A_106 = vector.load %arg4[%get3A_103, %get3A_104, %get3A_105] : memref<2x6x128xf32, #tpu.memory_space<vmem>>, vector<1x1x128xf32>
    %get3A_107 = vector.shape_cast %get3A_106 : vector<1x1x128xf32> to vector<1x128xf32>
    %get3A_108 = arith.constant 1 : index
    %get3A_109 = arith.constant 2 : index
    %get3A_110 = arith.constant 0 : index
    %get3A_111 = vector.load %arg4[%get3A_108, %get3A_109, %get3A_110] : memref<2x6x128xf32, #tpu.memory_space<vmem>>, vector<1x1x128xf32>
    %get3A_112 = vector.shape_cast %get3A_111 : vector<1x1x128xf32> to vector<1x128xf32>
    %get3A_113 = arith.constant 1 : index
    %get3A_114 = arith.constant 3 : index
    %get3A_115 = arith.constant 0 : index
    %get3A_116 = vector.load %arg4[%get3A_113, %get3A_114, %get3A_115] : memref<2x6x128xf32, #tpu.memory_space<vmem>>, vector<1x1x128xf32>
    %get3A_117 = vector.shape_cast %get3A_116 : vector<1x1x128xf32> to vector<1x128xf32>
    %get3A_118 = arith.constant 1 : index
    %get3A_119 = arith.constant 4 : index
    %get3A_120 = arith.constant 0 : index
    %get3A_121 = vector.load %arg4[%get3A_118, %get3A_119, %get3A_120] : memref<2x6x128xf32, #tpu.memory_space<vmem>>, vector<1x1x128xf32>
    %get3A_122 = vector.shape_cast %get3A_121 : vector<1x1x128xf32> to vector<1x128xf32>
    %get3A_123 = arith.constant 1 : index
    %get3A_124 = arith.constant 5 : index
    %get3A_125 = arith.constant 0 : index
    %get3A_126 = vector.load %arg4[%get3A_123, %get3A_124, %get3A_125] : memref<2x6x128xf32, #tpu.memory_space<vmem>>, vector<1x1x128xf32>
    %get3A_127 = vector.shape_cast %get3A_126 : vector<1x1x128xf32> to vector<1x128xf32>
    %get3A_128 = arith.constant 1 : index
    %get3A_129 = arith.constant 0 : index
    %get3A_130 = arith.constant 0 : index
    %get3A_131 = arith.constant 0 : index
    %get3A_132 = vector.load %arg3[%get3A_128, %get3A_129, %get3A_130, %get3A_131] : memref<2x3x128x128xf32, #tpu.memory_space<vmem>>, vector<1x1x128x128xf32>
    %get3A_133 = vector.shape_cast %get3A_132 : vector<1x1x128x128xf32> to vector<128x128xf32>
    %dot_general3A_134 = arith.constant dense<0.000000e+00> : vector<2000x128xf32>
    %dot_general3A_135 = tpu.matmul %add3A_92, %get3A_133, %dot_general3A_134 {dimension_numbers = #tpu.dot_dimension_numbers<[1], [0], [0], [1], [0, 0, 1, 1], [], []>, transpose_lhs_hint = false} : vector<2000x128xf32>, vector<128x128xf32>, vector<2000x128xf32> -> vector<2000x128xf32>
    %dot_general3A_136 = arith.constant dense<0.000000e+00> : vector<2000x128xf32>
    %dot_general3A_137 = tpu.matmul %get3A_97, %get3A_102, %dot_general3A_136 {dimension_numbers = #tpu.dot_dimension_numbers<[0], [0], [1], [1], [0, 1, 1, 1], [], []>, transpose_lhs_hint = false} : vector<1x2000xf32>, vector<1x128xf32>, vector<2000x128xf32> -> vector<2000x128xf32>
    %add3A_138 = arith.addf %dot_general3A_135, %dot_general3A_137 : vector<2000x128xf32>
    %add3A_139 = vector.broadcast %get3A_107 : vector<1x128xf32> to vector<2000x128xf32>
    %add3A_140 = arith.addf %add3A_138, %add3A_139 : vector<2000x128xf32>
    %max3A_141 = arith.constant 0.000000e+00 : f32
    %max3A_142 = vector.broadcast %max3A_141 : f32 to vector<2000x128xf32>
    %max3A_143 = arith.maximumf %add3A_140, %max3A_142 : vector<2000x128xf32>
    %get3A_144 = arith.constant 1 : index
    %get3A_145 = arith.constant 1 : index
    %get3A_146 = arith.constant 0 : index
    %get3A_147 = arith.constant 0 : index
    %get3A_148 = vector.load %arg3[%get3A_144, %get3A_145, %get3A_146, %get3A_147] : memref<2x3x128x128xf32, #tpu.memory_space<vmem>>, vector<1x1x128x128xf32>
    %get3A_149 = vector.shape_cast %get3A_148 : vector<1x1x128x128xf32> to vector<128x128xf32>
    %dot_general3A_150 = arith.constant dense<0.000000e+00> : vector<2000x128xf32>
    %dot_general3A_151 = tpu.matmul %max3A_143, %get3A_149, %dot_general3A_150 {dimension_numbers = #tpu.dot_dimension_numbers<[1], [0], [0], [1], [0, 0, 1, 1], [], []>, transpose_lhs_hint = false} : vector<2000x128xf32>, vector<128x128xf32>, vector<2000x128xf32> -> vector<2000x128xf32>
    %add3A_152 = vector.broadcast %get3A_112 : vector<1x128xf32> to vector<2000x128xf32>
    %add3A_153 = arith.addf %dot_general3A_151, %add3A_152 : vector<2000x128xf32>
    %max3A_154 = arith.constant 0.000000e+00 : f32
    %max3A_155 = vector.broadcast %max3A_154 : f32 to vector<2000x128xf32>
    %max3A_156 = arith.maximumf %add3A_153, %max3A_155 : vector<2000x128xf32>
    %get3A_157 = arith.constant 1 : index
    %get3A_158 = arith.constant 2 : index
    %get3A_159 = arith.constant 0 : index
    %get3A_160 = arith.constant 0 : index
    %get3A_161 = vector.load %arg3[%get3A_157, %get3A_158, %get3A_159, %get3A_160] : memref<2x3x128x128xf32, #tpu.memory_space<vmem>>, vector<1x1x128x128xf32>
    %get3A_162 = vector.shape_cast %get3A_161 : vector<1x1x128x128xf32> to vector<128x128xf32>
    %dot_general3A_163 = arith.constant dense<0.000000e+00> : vector<2000x128xf32>
    %dot_general3A_164 = tpu.matmul %max3A_156, %get3A_162, %dot_general3A_163 {dimension_numbers = #tpu.dot_dimension_numbers<[1], [0], [0], [1], [0, 0, 1, 1], [], []>, transpose_lhs_hint = false} : vector<2000x128xf32>, vector<128x128xf32>, vector<2000x128xf32> -> vector<2000x128xf32>
    %add3A_165 = vector.broadcast %get3A_117 : vector<1x128xf32> to vector<2000x128xf32>
    %add3A_166 = arith.addf %dot_general3A_164, %add3A_165 : vector<2000x128xf32>
    %reduce_sum3A_167 = arith.constant dense<0.000000e+00> : vector<2000xf32>
    %reduce_sum3A_168 = vector.multi_reduction <add>, %add3A_166, %reduce_sum3A_167 [1] : vector<2000x128xf32> to vector<2000xf32>
    %broadcast_in_dim3A_169 = vector.shape_cast %reduce_sum3A_168 : vector<2000xf32> to vector<2000x1xf32>
    %div3A_170 = arith.constant 1.280000e+02 : f32
    %div3A_171 = vector.broadcast %div3A_170 : f32 to vector<2000x1xf32>
    %div3A_172 = arith.divf %broadcast_in_dim3A_169, %div3A_171 : vector<2000x1xf32>
    %sub3A_173 = vector.broadcast %div3A_172 : vector<2000x1xf32> to vector<2000x128xf32>
    %sub3A_174 = arith.subf %add3A_166, %sub3A_173 : vector<2000x128xf32>
    %mul3A_175 = arith.mulf %sub3A_174, %sub3A_174 : vector<2000x128xf32>
    %reduce_sum3A_176 = arith.constant dense<0.000000e+00> : vector<2000xf32>
    %reduce_sum3A_177 = vector.multi_reduction <add>, %mul3A_175, %reduce_sum3A_176 [1] : vector<2000x128xf32> to vector<2000xf32>
    %broadcast_in_dim3A_178 = vector.shape_cast %reduce_sum3A_177 : vector<2000xf32> to vector<2000x1xf32>
    %div3A_179 = arith.constant 1.280000e+02 : f32
    %div3A_180 = vector.broadcast %div3A_179 : f32 to vector<2000x1xf32>
    %div3A_181 = arith.divf %broadcast_in_dim3A_178, %div3A_180 : vector<2000x1xf32>
    %add3A_182 = arith.constant 9.99999974E-6 : f32
    %add3A_183 = vector.broadcast %add3A_182 : f32 to vector<2000x1xf32>
    %add3A_184 = arith.addf %div3A_181, %add3A_183 : vector<2000x1xf32>
    %sqrt3A_185 = math.sqrt %add3A_184 : vector<2000x1xf32>
    %div3A_186 = vector.broadcast %sqrt3A_185 : vector<2000x1xf32> to vector<2000x128xf32>
    %div3A_187 = arith.divf %sub3A_174, %div3A_186 : vector<2000x128xf32>
    %mul3A_188 = vector.broadcast %get3A_122 : vector<1x128xf32> to vector<2000x128xf32>
    %mul3A_189 = arith.mulf %div3A_187, %mul3A_188 : vector<2000x128xf32>
    %add3A_190 = vector.broadcast %get3A_127 : vector<1x128xf32> to vector<2000x128xf32>
    %add3A_191 = arith.addf %mul3A_189, %add3A_190 : vector<2000x128xf32>
    %add3A_192 = arith.addf %add3A_92, %add3A_191 : vector<2000x128xf32>
    %swap3A = arith.constant 0 : index
    %swap3A_193 = arith.constant 0 : index
    %swap3A_194 = vector.load %arg5[%swap3A, %swap3A_193] : memref<2000x128xf32, #tpu.memory_space<vmem>>, vector<2000x128xf32>
    tpu.vector_store %arg5[%swap3A, %swap3A_193], %add3A_192 {strides = array<i32>} : memref<2000x128xf32, #tpu.memory_space<vmem>>, vector<2000x128xf32>,
    return
  }
  func.func @transform_0(%arg0: i32) -> (i32, i32) {
    %c0_i32 = arith.constant 0 : i32
    %c0_i32_0 = arith.constant 0 : i32
    return %arg0, %c0_i32 : i32, i32
  }
  func.func @transform_1(%arg0: i32) -> (i32, i32, i32) {
    %c0_i32 = arith.constant 0 : i32
    %c0_i32_0 = arith.constant 0 : i32
    %c0_i32_1 = arith.constant 0 : i32
    return %arg0, %c0_i32, %c0_i32_0 : i32, i32, i32
  }
  func.func @transform_2(%arg0: i32) -> (i32, i32, i32, i32) {
    %c0_i32 = arith.constant 0 : i32
    %c0_i32_0 = arith.constant 0 : i32
    %c0_i32_1 = arith.constant 0 : i32
    %c0_i32_2 = arith.constant 0 : i32
    %c0_i32_3 = arith.constant 0 : i32
    return %c0_i32, %c0_i32_0, %c0_i32_1, %c0_i32_2 : i32, i32, i32, i32
  }
  func.func @transform_3(%arg0: i32) -> (i32, i32, i32) {
    %c0_i32 = arith.constant 0 : i32
    %c0_i32_0 = arith.constant 0 : i32
    %c0_i32_1 = arith.constant 0 : i32
    %c0_i32_2 = arith.constant 0 : i32
    return %c0_i32, %c0_i32_0, %c0_i32_1 : i32, i32, i32
  }
  func.func @transform_4(%arg0: i32) -> (i32, i32) {
    %c0_i32 = arith.constant 0 : i32
    %c0_i32_0 = arith.constant 0 : i32
    return %arg0, %c0_i32 : i32, i32
  }
}

</mosaic_0001>

<sc_bundles>
// kernel: kernel.4.cloned.1.call-start
scs
__scs_entry_jumppad:
0x0: {  	(pc) =	sbr.rel $0x88, $3  }
0x1: {  	(tag) =	ssettag $0x0;
	lr =	simm.s32 $0x1  }
0x2: {  	[smem:$0x3F8E] =	sst lr;
	_ =	strace $0xD0000000  }
0x3: {  	_ = 	snop  }
0x4: {  	_ = 	snop  }
0x5: {  	_ = 	snop  }
0x6: {  	_ = 	snop  }
0x7: {  	_ = 	snop  }
__scs_overlays_trampoline_lowered:
0x8: {  	[smem:$0x3F9D] =	sst s0  }
0x9: {  	[smem:$0x3F9E] =	sst s1  }
0xa: {  	[smem:$0x3F9F] =	sst s2  }
0xb: {  	[smem:$0x3FA0] =	sst s3  }
0xc: {  	[smem:$0x3FA1] =	sst s4  }
0xd: {  	[smem:$0x3FA2] =	sst s5  }
0xe: {  	[smem:$0x3FA3] =	sst s6  }
0xf: {  	[smem:$0x3FA4] =	sst s7  }
0x10: {  	[smem:$0x3FA5] =	sst s8  }
0x11: {  	[smem:$0x3FA6] =	sst s9;
	s0 =	simm.s32 @!p0 $0x0  }
0x12: {  	s1 =	sld [smem:$0x3F8C];
	s0 =	simm.s32 @p0 $0x1  }
0x13: {  	[smem:$0x3FA7] =	sst s0;
	s0 =	simm.s32 @!p1 $0x0  }
0x14: {  	s2 =	sld [smem:$0x3F8B];
	s0 =	simm.s32 @p1 $0x1  }
0x15: {  	[smem:$0x3FA8] =	sst s0;
	s0 =	simm.s32 @!p2 $0x0  }
0x16: {  	s3 =	sld [smem:$0x3FDB];
	s0 =	simm.s32 @p2 $0x1  }
0x17: {  	s4 =	simm.s32 $0x1BF5;
	[smem:$0x3FAA] =	sst s0  }
0x18: {  	s0 =	sld [smem:$0x3F8D];
	_ =	swait.ge [sflag:s4], $0x0  }
0x19: {  	s7 =	sld [smem:$0x3F8E]  }
0x1a: {  	s8 =	sadd.s32 $0xFFFFE003, lr  }
0x1b: {  	s9 =	sadd.s32 $0xFFFFFEF7, lr;
	s5 =	simm.s32 $0xFFFFFFFF;
	p2 =	slt.u32 s8, $0xFFFFF086  }
0x1c: {  	p1 =	slt.u32 s9, $0xF7A;
	s5 =	simm.s32 @!p2 $0x0  }
0x1d: {  	s5 =	simm.s32 @p1 $0x1;
	p0 =	seq.s32 s7, s2  }
0x1e: {  	s7 =	smul.u32 @!p0 $0xF7A, s2;
	p2 =	seq.s32 @!p0 s5, $0x0  }
0x1f: {  	s9 =	smul.u32 $0xF7A, s1;
	s8 =	simm.s32 @!p0 $0x1BF5;
	p2 =	por !p2, p0  }
0x20: {  	[sflag:s8] =	ssyncset.s32 @!p0 $0xFFFFF086;
	s6 =	sadd.s32 @!p0 s3, s7;
	s7 =	simm.s32 @!p0 $0x108  }
0x21: {  	s3 =	sadd.s32 s3, s9;
	s6 =	sadd.s32 @!p0 $0x88, s6;
	s7 =	simm.s32 @p2 $0x1082  }
0x22: {  	[simem:s7], [sflag:s8] =	dma.local @!p0 [hbm:s6], $0xF7A  }
0x23: {  	s9 =	sor.u32 $0xD0000000, s2;
	s6 =	simm.s32 $0x108;
	_ =	swait.ge @!p0 [sflag:s8], $0x0  }
0x24: {  	s3 =	sadd.s32 $0x88, s3;
	s6 =	simm.s32 @!p1 $0x1082;
	[sflag:s4] =	ssyncset.s32 $0xFFFFF086  }
0x25: {  	[simem:s6], [sflag:s4] =	dma.local [hbm:s3], $0xF7A  }
0x26: {  	[smem:$0x3F8E] =	sst s1;
	(tag) =	ssettag s2;
	_ =	strace s9  }
0x27: {  	s1 =	sld [smem:$0x3F9E]  }
0x28: {  	s2 =	sld [smem:$0x3F9F]  }
0x29: {  	s4 =	sld [smem:$0x3FA1]  }
0x2a: {  	p0 =	seq.s32 s5, $0x0;
	s5 =	sld [smem:$0x3FA2]  }
0x2b: {  	s6 =	sld [smem:$0x3FA3]  }
0x2c: {  	s7 =	sld [smem:$0x3FA4]  }
0x2d: {  	s3 =	simm.s32 $0x108;
	s8 =	sld [smem:$0x3FA5]  }
0x2e: {  	s3 =	simm.s32 @!p0 $0x1082;
	s9 =	sld [smem:$0x3FA6]  }
0x2f: {  	lr =	sadd.s32 s0, s3;
	s0 =	sld [smem:$0x3F9D]  }
0x30: {  	s3 =	sld [smem:$0x3FA0]  }
0x31: {  	[smem:$0x3FA9] =	sst s10  }
0x32: {  	s10 =	sld [smem:$0x3FA7];
	_ =	sdelay $0x3  }
0x33: {  	p0 =	seq.s32 s10, $0x1;
	s10 =	sld [smem:$0x3FA9];
	_ =	sdelay $0x3  }
0x34: {  	[smem:$0x3FA9] =	sst s10  }
0x35: {  	s10 =	sld [smem:$0x3FA8];
	_ =	sdelay $0x3  }
0x36: {  	p1 =	seq.s32 s10, $0x1;
	s10 =	sld [smem:$0x3FA9];
	_ =	sdelay $0x3  }
0x37: {  	[smem:$0x3FA9] =	sst s10  }
0x38: {  	s10 =	sld [smem:$0x3FAA]  }
0x39: {  	_ = 	snop;
	(pc) =	sbr.ind lr, $3  }
0x3a: {  	_ = 	snop  }
0x3b: {  	_ = 	snop  }
0x3c: {  	p2 =	seq.s32 s10, $0x1;
	s10 =	sld [smem:$0x3FA9]  }
0x3d: {  	_ =	shalt  }
0x3e: {  	_ =	shalt  }
0x3f: {  	_ =	shalt  }
0x40: {  	_ =	shalt  }
0x41: {  	_ =	shalt  }
0x42: {  	_ =	shalt  }
0x43: {  	_ =	shalt  }
0x44: {  	_ =	shalt  }
0x45: {  	_ =	shalt  }
0x46: {  	_ =	shalt  }
0x47: {  	_ =	shalt  }
0x48: {  	_ =	shalt  }
0x49: {  	_ =	shalt  }
0x4a: {  	_ =	shalt  }
0x4b: {  	_ =	shalt  }
0x4c: {  	_ =	shalt  }
0x4d: {  	_ =	shalt  }
0x4e: {  	_ =	shalt  }
0x4f: {  	_ =	shalt  }
0x50: {  	_ =	shalt  }
0x51: {  	_ =	shalt  }
0x52: {  	_ =	shalt  }
0x53: {  	_ =	shalt  }
0x54: {  	_ =	shalt  }
0x55: {  	_ =	shalt  }
0x56: {  	_ =	shalt  }
0x57: {  	_ =	shalt  }
0x58: {  	_ =	shalt  }
0x59: {  	_ =	shalt  }
0x5a: {  	_ =	shalt  }
0x5b: {  	_ =	shalt  }
0x5c: {  	_ =	shalt  }
0x5d: {  	_ =	shalt  }
0x5e: {  	_ =	shalt  }
0x5f: {  	_ =	shalt  }
0x60: {  	_ =	shalt  }
0x61: {  	_ =	shalt  }
0x62: {  	_ =	shalt  }
0x63: {  	_ =	shalt  }
0x64: {  	_ =	shalt  }
0x65: {  	_ =	shalt  }
0x66: {  	_ =	shalt  }
0x67: {  	_ =	shalt  }
0x68: {  	_ =	shalt  }
0x69: {  	_ =	shalt  }
0x6a: {  	_ =	shalt  }
0x6b: {  	_ =	shalt  }
0x6c: {  	_ =	shalt  }
0x6d: {  	_ =	shalt  }
0x6e: {  	_ =	shalt  }
0x6f: {  	_ =	shalt  }
0x70: {  	_ =	shalt  }
0x71: {  	_ =	shalt  }
0x72: {  	_ =	shalt  }
0x73: {  	_ =	shalt  }
0x74: {  	_ =	shalt  }
0x75: {  	_ =	shalt  }
0x76: {  	_ =	shalt  }
0x77: {  	_ =	shalt  }
0x78: {  	_ =	shalt  }
0x79: {  	_ =	shalt  }
0x7a: {  	_ =	shalt  }
0x7b: {  	_ =	shalt  }
0x7c: {  	_ =	shalt  }
0x7d: {  	_ =	shalt  }
0x7e: {  	_ =	shalt  }
0x7f: {  	_ =	shalt  }
0x80: {  	_ =	shalt  }
0x81: {  	_ =	shalt  }
0x82: {  	_ =	shalt  }
0x83: {  	_ =	shalt  }
0x84: {  	_ =	shalt  }
0x85: {  	_ =	shalt  }
0x86: {  	_ =	shalt  }
0x87: {  	_ =	shalt  }
.Lfunc_end0:
.L_simem_size_0:
called_computation_lowered:
.L_overlay_start_0:
0x88: {  	s2 =	sld [smem:$0x3FD9]  }
0x89: {  	s3 =	sld [smem:$0x3FFE];
	_ =	sdelay $0x1  }
0x8a: {  	s1 =	srdreg.scid  }
0x8b: {  	s0 =	sand.u32 $0x1, s1  }
0x8c: {  	s17 =	sshll.u32 s0, $0xA;
	s2 =	sadd.s32 s3, s2  }
0x8d: {  	s2 =	sadd.s32 s2, s17  }
0x8e: {  	[smem:$0x3FB5] =	sst s2  }
0x8f: {  	_ = 	snop  }
0x90: {  	s2 =	sld [smem:$0x3FD0];
	(tm) =	ssettm $0x1  }
0x91: {  	s18 =	sld [smem:$0x3FFB];
	_ =	sdelay $0x3  }
0x92: {  	_ =	strace s18  }
0x93: {  	s3 =	sld [smem:$0x3FFC];
	_ =	sdelay $0x3  }
0x94: {  	_ =	strace s3  }
0x95: {  	s3 =	sld [smem:$0x3FFD];
	_ =	sdelay $0x3  }
0x96: {  	_ =	strace s3  }
0x97: {  	_ =	strace $0x8FFFFFFF  }
0x98: {  	s19 =	sld [smem:$0x3FDB];
	_ =	sdelay $0x1  }
0x99: {  	s4 =	simm.s32 $_scs_section_size  }
0x9a: {  	s5 =	simm.s32 $_size__tile_overlayer_lowered;
	s6 =	simm.s32 $_tile_overlayer_lowered  }
0x9b: {  	s22 =	simm.s32 $0x1BFF;
	s21 =	sshll.u32 s6, $0x1;
	s3 =	sadd.s32 s4, s19  }
0x9c: {  	s7 =	simm.s32 $0x0;
	s20 =	sshll.u32 s5, $0x1;
	s5 =	sadd.s32 s21, s3  }
0x9d: {  	[timem:s7], [sflag:s22] =	dma.local [hbm:s5], s20  }
0x9e: {  	_ =	swait.ge [sflag:s22], s20  }
0x9f: {  	s4 =	ssub.s32 $0x0, s20;
	[sflag:s22] =	ssyncset.done $0x0  }
0xa0: {  	[sflag:s22] =	ssyncadd.s32 s4;
	_ =	sdelay $0x1  }
0xa1: {  	s23 =	simm.s32 $0x1B8B  }
0xa2: {  	_ =	swait.ge [sflag:s23], $0x1  }
0xa3: {  	[sflag:s23] =	ssyncset.done $0x0  }
0xa4: {  	s25 =	simm.s32 $0x1B8E;
	s24 =	sld [smem:$0x3FFE];
	[sflag:s23] =	ssyncadd.s32 $0xFFFFFFFF  }
0xa5: {  	s26 =	simm.s32 $execute0_lowered;
	[smem:$0x3FD2] =	sst s25  }
0xa6: {  	s5 =	sshll.u32 s26, $0x1;
	_ =	strace $0x80000046;
	[dreg:$0x1] =	wrdreg $0xFFFFFFFF  }
0xa7: {  	s28 =	simm.s32 $_size_execute0_lowered;
	s3 =	sadd.s32 s3, s5;
	[dreg:$0x0] =	wrdreg $0x0  }
0xa8: {  	s5 =	sshll.u32 s28, $0x1;
	[dreg:$0x2] =	wrdreg s3  }
0xa9: {  	[dreg:$0x3] =	wrdreg s5  }
0xaa: {  	[dreg:$0x4] =	wrdreg $0xC0  }
0xab: {  	_ =	task [dreg:s7], $0x5FFFF  }
0xac: {  	[dreg:$0x1] =	wrdreg $0xFFFFFFFF  }
0xad: {  	[dreg:$0x0] =	wrdreg $0x60  }
0xae: {  	[dreg:$0x2] =	wrdreg s2  }
0xaf: {  	[dreg:$0x3] =	wrdreg s24  }
0xb0: {  	[dreg:$0x4] =	wrdreg $0xD9800  }
0xb1: {  	[dreg:$0x5] =	wrdreg $0x9  }
0xb2: {  	_ =	task.clear_ibuf [dreg:s7], $0x6FFFF;
	_ =	strace $0x90000046  }
0xb3: {  	s29 =	simm.s32 $0x9;
	_ =	strace $0x80000048  }
0xb4: {  	_ =	swait.ge [sflag:s29], $0x1  }
0xb5: {  	[sflag:s29] =	ssyncadd.s32 $0xFFFFFFFF  }
0xb6: {  	_ =	strace $0x90000048  }
0xb7: {  	_ =	sfence  }
0xb8: {  	s30 =	sld [smem:$0x0];
	_ =	sdelay $0x2  }
0xb9: {  	s31 =	sshll.u32 s1, $0xD;
	s1 =	sshrl.u32 s1, $0x2  }
0xba: {  	s3 =	sand.u32 $0x4000, s31;
	s1 =	sadd.s32 s1, s30  }
0xbb: {  	s0 =	sor.u32 s3, s0;
	s1 =	sshll.u32 s1, $0x11  }
0xbc: {  	s0 =	sor.u32 s1, s0  }
0xbd: {  	s0 =	sadd.s32 $0x8F2B, s0  }
0xbe: {  	[sflag:s0] =	ssyncadd.remote.s32 $0x1  }
0xbf: {  	_ =	sfence.sel $0xFFFF  }
0xc0: {  	[dreg:$0x0] =	wrdreg $0xFFFFFFFF;
	(pc) =	sbr.abs _section_cstart, $3  }
0xc1: {  	[dreg:$0x1] =	wrdreg $0xFFFFFFFF  }
0xc2: {  	_ =	task.clear_ibuf [dreg:s7], $0x2FFFF;
	_ =	strace $0x9FFFFFFF  }
0xc3: {  	(tm) =	ssettm $0x7FFFFFFF  }
tec
execute0_lowered:
.L_overlay_start_1:
0x0: {  	(tag) =	ssettag $0x1  }
0x1: {  	s6 =	rddreg [dreg:$0x0]  }
0x2: {  	s7 =	rddreg [dreg:$0x1]  }
0x3: {  	s0 =	srdreg.scid;
	s1 =	rddreg [dreg:$0x2]  }
0x4: {  	s9 =	stileid.u32;
	s2 =	simm.s32 $0x0;
	s14 =	simm.s32 $0x8980  }
0x5: {  	s15 =	simm.s32 $0x80;
	s4 =	sand.u32 $0x1, s0;
	s0 =	rddreg [dreg:$0x3]  }
0x6: {  	s16 =	simm.s32 $0x1;
	s17 =	simm.s32 $0x0;
	[smem:$0x7FF] =	sst s2  }
0x7: {  	s5 =	sadd.s32 $0x8E00, s7;
	p0 =	sne.s32 s9, $0x0;
	s8 =	sshll.u32 s4, $0x4  }
0x8: {  	_ =	strace $0x80000047;
	s12 =	ssub.s32 $0x2, s4;
	s4 =	sadd.s32 $0x2A00, s7  }
0x9: {  	s3 =	sor.u32 s9, s8;
	s13 =	sshrl.u32 s12, $0x1;
	s8 =	sadd.s32 s8, s7  }
0xa: {  	s10 =	smul.u32 $0x271, s3;
	s3 =	sadd.s32 $0x7E00, s7;
	s12 =	ssub.s32 s12, s13  }
0xb: {  	s8 =	sadd.s32 $0x9400, s8;
	s13 =	simm.s32 $0x7580;
	s9 =	smax.u32 s12, $0x1  }
0xc: {  	s12 =	simm.s32 $0xC580;
	s11 =	sadd.s32 s10, s7;
	s6 =	sadd.s32 s6, s10  }
0xd: {  	s10 =	sshrl.u32 @!p0 s1, $0x3;
	s7 =	sadd.s32 $0x2E00, s11;
	s11 =	simm.s32 $0x2  }
.LBB2_1:
0xe: {  	s18 =	simm.s32 @!p0 $0x1C02  }
0xf: {  	[spmem:s10], [sflag:s18] =	dma.local @!p0 [hbm:s5], $0x4F0  }
0x10: {  	s18 =	simm.s32 @!p0 $0x2  }
0x11: {  	_ =	swait.ge @!p0 [sflag:s18], $0x4F0  }
0x12: {  	[sflag:s18] =	ssyncset.done @!p0 $0x0  }
0x13: {  	[sflag:s18] =	ssyncadd.s32 @!p0 $0xFFFFFB10  }
0x14: {  	[tilespmem:s2], [sflag:$0x2] =	stream.linear.gather [hbm4b:s3+s2], $0x7580, $0x38;
	[tilespmem:$0xDBF8] =	vst v63  }
0x15: {  	_ =	swait.ge [sflag:s11], $0x7580  }
0x16: {  	[sflag:s11] =	ssyncset.done $0x0  }
0x17: {  	[sflag:s11] =	ssyncadd.s32 $0xFFFF8A80  }
0x18: {  	[tilespmem:s12], [sflag:$0x2] =	stream.linear.gather [hbm4b:s4+s2], $0x1400, $0x38;
	[tilespmem:$0xDBF8] =	vst v63  }
0x19: {  	_ =	swait.ge [sflag:s11], $0x1400  }
0x1a: {  	[sflag:s11] =	ssyncset.done $0x0  }
0x1b: {  	[sflag:s11] =	ssyncadd.s32 $0xFFFFEC00  }
0x1c: {  	[tilespmem:s13], [sflag:$0x2] =	stream.linear.gather [hbm4b:s6+s2], $0x1400, $0x38;
	[tilespmem:$0xDBF8] =	vst v63  }
0x1d: {  	_ =	swait.ge [sflag:s11], $0x1400  }
0x1e: {  	[sflag:s11] =	ssyncset.done $0x0  }
0x1f: {  	[sflag:s11] =	ssyncadd.s32 $0xFFFFEC00  }
0x20: {  	[tilespmem:s14], [sflag:$0x2] =	stream.linear.gather [hbm4b:s7+s2], $0x1400, $0x38;
	[tilespmem:$0xDBF8] =	vst v63  }
0x21: {  	_ =	swait.ge [sflag:s11], $0x1400  }
0x22: {  	[sflag:s11] =	ssyncset.done $0x0  }
0x23: {  	[sflag:s11] =	ssyncadd.s32 $0xFFFFEC00  }
0x24: {  	s18 =	simm.s32 $0x0;
	[bflag:$0x0] =	sbarrier.arrive $0xFFFF  }
.LBB2_2:
0x25: {  	s19 =	sshra.s32 s18, $0x2  }
0x26: {  	v0 =	vld [tilespmem:s19+$0x7580]  }
0x27: {  	v1 =	vld [tilespmem:s19+$0x8980];
	_ =	sdelay $0x3  }
0x28: {  	v0 =	vmul.u32 $0x3, v0  }
0x29: {  	v2 =	vmul.u32 $0x3, v1;
	_ =	sdelay $0x1  }
0x2a: {  	v3 =	vadd.s32 $0x1, v0  }
0x2b: {  	v4 =	vadd.s32 $0x1, v2  }
0x2c: {  	v5 =	vadd.s32 $0x2, v0  }
0x2d: {  	v6 =	vadd.s32 $0x2, v2;
	v0 =	vld.idx.msk [tilespmem:v0+s2+$0x0], $0xffff  }
0x2e: {  	v2 =	vld.idx.msk [tilespmem:v2+s2+$0x0], $0xffff  }
0x2f: {  	v3 =	vld.idx.msk [tilespmem:v3+s2+$0x0], $0xffff  }
0x30: {  	v4 =	vld.idx.msk [tilespmem:v4+s2+$0x0], $0xffff  }
0x31: {  	v5 =	vld.idx.msk [tilespmem:v5+s2+$0x0], $0xffff  }
0x32: {  	v6 =	vld.idx.msk [tilespmem:v6+s2+$0x0], $0xffff;
	_ =	sdelay $0x2  }
0x33: {  	v42 =	vld [tilespmem:s19+$0x7590];
	v0 =	vsub.f32 v2, v0;
	v41 =	vsub.f32 v4, v3;
	_ =	sdelay $0x1  }
0x34: {  	v45 =	vld [tilespmem:s19+$0x8990];
	v43 =	vsub.f32 v6, v5;
	v0 =	vmul.f32 v0, v0;
	v2 =	vmul.f32 v41, v41  }
0x35: {  	v44 =	vld [tilespmem:s19+$0xC580]  }
0x36: {  	v46 =	vmul.f32 v43, v43;
	v0 =	vadd.f32 v2, v0  }
0x37: {  	v47 =	vmul.u32 $0x3, v42  }
0x38: {  	v0 =	vadd.f32 v46, v0  }
0x39: {  	v48 =	vmul.u32 $0x3, v45;
	v49 =	vadd.s32 $0x1, v47  }
0x3a: {  	v0 =	vmul.f32 v0, v44  }
0x3b: {  	v50 =	vadd.s32 $0x1, v48;
	[tilespmem:s19+$0x9D80] =	vst v1  }
0x3c: {  	v51 =	vadd.s32 $0x2, v47;
	[tilespmem:s19+$0xB180] =	vst v0  }
0x3d: {  	v52 =	vadd.s32 $0x2, v48;
	v2 =	vld.idx.msk [tilespmem:v47+s2+$0x0], $0xffff  }
0x3e: {  	v4 =	vld.idx.msk [tilespmem:v49+s2+$0x0], $0xffff  }
0x3f: {  	v3 =	vld.idx.msk [tilespmem:v48+s2+$0x0], $0xffff  }
0x40: {  	v0 =	vld.idx.msk [tilespmem:v50+s2+$0x0], $0xffff  }
0x41: {  	v1 =	vld.idx.msk [tilespmem:v51+s2+$0x0], $0xffff  }
0x42: {  	v5 =	vld.idx.msk [tilespmem:v52+s2+$0x0], $0xffff;
	_ =	sdelay $0x2  }
0x43: {  	v53 =	vld [tilespmem:s19+$0x75A0];
	v2 =	vsub.f32 v3, v2;
	v0 =	vsub.f32 v0, v4;
	_ =	sdelay $0x1  }
0x44: {  	v55 =	vld [tilespmem:s19+$0x89A0];
	v1 =	vsub.f32 v5, v1;
	v2 =	vmul.f32 v2, v2;
	v0 =	vmul.f32 v0, v0  }
0x45: {  	v54 =	vld [tilespmem:s19+$0xC590]  }
0x46: {  	v1 =	vmul.f32 v1, v1;
	v0 =	vadd.f32 v0, v2  }
0x47: {  	v56 =	vmul.u32 $0x3, v53  }
0x48: {  	v0 =	vadd.f32 v1, v0  }
0x49: {  	v57 =	vmul.u32 $0x3, v55;
	v3 =	vadd.s32 $0x1, v56  }
0x4a: {  	v0 =	vmul.f32 v0, v54  }
0x4b: {  	v58 =	vadd.s32 $0x1, v57;
	[tilespmem:s19+$0x9D90] =	vst v45  }
0x4c: {  	v59 =	vadd.s32 $0x2, v56;
	[tilespmem:s19+$0xB190] =	vst v0  }
0x4d: {  	v60 =	vadd.s32 $0x2, v57;
	v1 =	vld.idx.msk [tilespmem:v56+s2+$0x0], $0xffff  }
0x4e: {  	v3 =	vld.idx.msk [tilespmem:v3+s2+$0x0], $0xffff  }
0x4f: {  	v2 =	vld.idx.msk [tilespmem:v57+s2+$0x0], $0xffff  }
0x50: {  	v0 =	vld.idx.msk [tilespmem:v58+s2+$0x0], $0xffff  }
0x51: {  	v4 =	vld.idx.msk [tilespmem:v59+s2+$0x0], $0xffff  }
0x52: {  	v6 =	vld.idx.msk [tilespmem:v60+s2+$0x0], $0xffff;
	_ =	sdelay $0x2  }
0x53: {  	v61 =	vld [tilespmem:s19+$0x75B0];
	v1 =	vsub.f32 v2, v1;
	v0 =	vsub.f32 v0, v3;
	_ =	sdelay $0x1  }
0x54: {  	v9 =	vld [tilespmem:s19+$0x89B0];
	v62 =	vsub.f32 v6, v4;
	v1 =	vmul.f32 v1, v1;
	v0 =	vmul.f32 v0, v0  }
0x55: {  	v63 =	vld [tilespmem:s19+$0xC5A0]  }
0x56: {  	v10 =	vmul.f32 v62, v62;
	v0 =	vadd.f32 v0, v1  }
0x57: {  	v11 =	vmul.u32 $0x3, v61  }
0x58: {  	v0 =	vadd.f32 v10, v0  }
0x59: {  	v12 =	vmul.u32 $0x3, v9;
	v13 =	vadd.s32 $0x1, v11  }
0x5a: {  	v0 =	vmul.f32 v0, v63  }
0x5b: {  	v14 =	vadd.s32 $0x1, v12;
	[tilespmem:s19+$0x9DA0] =	vst v55  }
0x5c: {  	v15 =	vadd.s32 $0x2, v11;
	[tilespmem:s19+$0xB1A0] =	vst v0  }
0x5d: {  	v16 =	vadd.s32 $0x2, v12;
	v1 =	vld.idx.msk [tilespmem:v11+s2+$0x0], $0xffff  }
0x5e: {  	v3 =	vld.idx.msk [tilespmem:v13+s2+$0x0], $0xffff  }
0x5f: {  	v2 =	vld.idx.msk [tilespmem:v12+s2+$0x0], $0xffff  }
0x60: {  	v0 =	vld.idx.msk [tilespmem:v14+s2+$0x0], $0xffff  }
0x61: {  	v4 =	vld.idx.msk [tilespmem:v15+s2+$0x0], $0xffff  }
0x62: {  	v5 =	vld.idx.msk [tilespmem:v16+s2+$0x0], $0xffff;
	_ =	sdelay $0x2  }
0x63: {  	v17 =	vld [tilespmem:s19+$0x75C0];
	v1 =	vsub.f32 v2, v1;
	v0 =	vsub.f32 v0, v3;
	_ =	sdelay $0x1  }
0x64: {  	v20 =	vld [tilespmem:s19+$0x89C0];
	v18 =	vsub.f32 v5, v4;
	v1 =	vmul.f32 v1, v1;
	v0 =	vmul.f32 v0, v0  }
0x65: {  	v19 =	vld [tilespmem:s19+$0xC5B0]  }
0x66: {  	v21 =	vmul.f32 v18, v18;
	v0 =	vadd.f32 v0, v1  }
0x67: {  	v22 =	vmul.u32 $0x3, v17  }
0x68: {  	v0 =	vadd.f32 v21, v0  }
0x69: {  	v23 =	vmul.u32 $0x3, v20;
	v24 =	vadd.s32 $0x1, v22  }
0x6a: {  	v0 =	vmul.f32 v0, v19  }
0x6b: {  	v25 =	vadd.s32 $0x1, v23;
	[tilespmem:s19+$0x9DB0] =	vst v9  }
0x6c: {  	v26 =	vadd.s32 $0x2, v22;
	[tilespmem:s19+$0xB1B0] =	vst v0  }
0x6d: {  	v27 =	vadd.s32 $0x2, v23;
	v1 =	vld.idx.msk [tilespmem:v22+s2+$0x0], $0xffff  }
0x6e: {  	v3 =	vld.idx.msk [tilespmem:v24+s2+$0x0], $0xffff  }
0x6f: {  	v2 =	vld.idx.msk [tilespmem:v23+s2+$0x0], $0xffff  }
0x70: {  	v0 =	vld.idx.msk [tilespmem:v25+s2+$0x0], $0xffff  }
0x71: {  	v4 =	vld.idx.msk [tilespmem:v26+s2+$0x0], $0xffff  }
0x72: {  	v6 =	vld.idx.msk [tilespmem:v27+s2+$0x0], $0xffff;
	_ =	sdelay $0x2  }
0x73: {  	v28 =	vld [tilespmem:s19+$0x75D0];
	v1 =	vsub.f32 v2, v1;
	v0 =	vsub.f32 v0, v3;
	_ =	sdelay $0x1  }
0x74: {  	v31 =	vld [tilespmem:s19+$0x89D0];
	v29 =	vsub.f32 v6, v4;
	v1 =	vmul.f32 v1, v1;
	v0 =	vmul.f32 v0, v0  }
0x75: {  	v30 =	vld [tilespmem:s19+$0xC5C0]  }
0x76: {  	v32 =	vmul.f32 v29, v29;
	v0 =	vadd.f32 v0, v1  }
0x77: {  	v33 =	vmul.u32 $0x3, v28  }
0x78: {  	v0 =	vadd.f32 v32, v0  }
0x79: {  	v34 =	vmul.u32 $0x3, v31;
	v35 =	vadd.s32 $0x1, v33  }
0x7a: {  	v0 =	vmul.f32 v0, v30  }
0x7b: {  	v36 =	vadd.s32 $0x1, v34;
	[tilespmem:s19+$0x9DC0] =	vst v20  }
0x7c: {  	v37 =	vadd.s32 $0x2, v33;
	[tilespmem:s19+$0xB1C0] =	vst v0  }
0x7d: {  	v38 =	vadd.s32 $0x2, v34;
	v1 =	vld.idx.msk [tilespmem:v33+s2+$0x0], $0xffff  }
0x7e: {  	v3 =	vld.idx.msk [tilespmem:v35+s2+$0x0], $0xffff  }
0x7f: {  	v2 =	vld.idx.msk [tilespmem:v34+s2+$0x0], $0xffff  }
0x80: {  	v0 =	vld.idx.msk [tilespmem:v36+s2+$0x0], $0xffff  }
0x81: {  	v4 =	vld.idx.msk [tilespmem:v37+s2+$0x0], $0xffff  }
0x82: {  	v5 =	vld.idx.msk [tilespmem:v38+s2+$0x0], $0xffff;
	_ =	sdelay $0x2  }
0x83: {  	v39 =	vld [tilespmem:s19+$0x75E0];
	v1 =	vsub.f32 v2, v1;
	v0 =	vsub.f32 v0, v3;
	_ =	sdelay $0x1  }
0x84: {  	v42 =	vld [tilespmem:s19+$0x89E0];
	v40 =	vsub.f32 v5, v4;
	v1 =	vmul.f32 v1, v1;
	v0 =	vmul.f32 v0, v0  }
0x85: {  	v41 =	vld [tilespmem:s19+$0xC5D0]  }
0x86: {  	v43 =	vmul.f32 v40, v40;
	v0 =	vadd.f32 v0, v1  }
0x87: {  	v44 =	vmul.u32 $0x3, v39  }
0x88: {  	v0 =	vadd.f32 v43, v0  }
0x89: {  	v46 =	vadd.s32 $0x1, v44;
	v45 =	vmul.u32 $0x3, v42  }
0x8a: {  	v0 =	vmul.f32 v0, v41  }
0x8b: {  	v47 =	vadd.s32 $0x1, v45;
	[tilespmem:s19+$0x9DD0] =	vst v31  }
0x8c: {  	v48 =	vadd.s32 $0x2, v44;
	[tilespmem:s19+$0xB1D0] =	vst v0  }
0x8d: {  	v49 =	vadd.s32 $0x2, v45;
	v1 =	vld.idx.msk [tilespmem:v44+s2+$0x0], $0xffff  }
0x8e: {  	v3 =	vld.idx.msk [tilespmem:v46+s2+$0x0], $0xffff  }
0x8f: {  	v2 =	vld.idx.msk [tilespmem:v45+s2+$0x0], $0xffff  }
0x90: {  	v0 =	vld.idx.msk [tilespmem:v47+s2+$0x0], $0xffff  }
0x91: {  	v4 =	vld.idx.msk [tilespmem:v48+s2+$0x0], $0xffff  }
0x92: {  	v6 =	vld.idx.msk [tilespmem:v49+s2+$0x0], $0xffff;
	_ =	sdelay $0x2  }
0x93: {  	v50 =	vld [tilespmem:s19+$0x75F0];
	v1 =	vsub.f32 v2, v1;
	v0 =	vsub.f32 v0, v3;
	_ =	sdelay $0x1  }
0x94: {  	v53 =	vld [tilespmem:s19+$0x89F0];
	v51 =	vsub.f32 v6, v4;
	v1 =	vmul.f32 v1, v1;
	v0 =	vmul.f32 v0, v0  }
0x95: {  	v52 =	vld [tilespmem:s19+$0xC5E0]  }
0x96: {  	v54 =	vmul.f32 v51, v51;
	v0 =	vadd.f32 v0, v1  }
0x97: {  	v55 =	vmul.u32 $0x3, v50  }
0x98: {  	v0 =	vadd.f32 v54, v0  }
0x99: {  	v56 =	vmul.u32 $0x3, v53;
	v57 =	vadd.s32 $0x1, v55  }
0x9a: {  	v0 =	vmul.f32 v0, v52  }
0x9b: {  	v58 =	vadd.s32 $0x1, v56;
	[tilespmem:s19+$0x9DE0] =	vst v42  }
0x9c: {  	v59 =	vadd.s32 $0x2, v55;
	[tilespmem:s19+$0xB1E0] =	vst v0  }
0x9d: {  	v60 =	vadd.s32 $0x2, v56;
	v1 =	vld.idx.msk [tilespmem:v55+s2+$0x0], $0xffff  }
0x9e: {  	v3 =	vld.idx.msk [tilespmem:v57+s2+$0x0], $0xffff  }
0x9f: {  	v2 =	vld.idx.msk [tilespmem:v56+s2+$0x0], $0xffff  }
0xa0: {  	v0 =	vld.idx.msk [tilespmem:v58+s2+$0x0], $0xffff  }
0xa1: {  	v4 =	vld.idx.msk [tilespmem:v59+s2+$0x0], $0xffff  }
0xa2: {  	v5 =	vld.idx.msk [tilespmem:v60+s2+$0x0], $0xffff;
	_ =	sdelay $0x2  }
0xa3: {  	v1 =	vsub.f32 v2, v1;
	v0 =	vsub.f32 v0, v3;
	_ =	sdelay $0x1  }
0xa4: {  	v61 =	vsub.f32 v5, v4;
	v1 =	vmul.f32 v1, v1;
	v0 =	vmul.f32 v0, v0  }
0xa5: {  	v62 =	vld [tilespmem:s19+$0xC5F0]  }
0xa6: {  	v63 =	vmul.f32 v61, v61;
	v0 =	vadd.f32 v0, v1;
	_ =	sdelay $0x1  }
0xa7: {  	p1 =	sne.s32 s18, $0x4E00;
	v0 =	vadd.f32 v63, v0  }
.Ltmp0:
0xa8: {  	_ = 	snop;
	(pc) =	sbr.rel @p1 .LBB2_2-.Ltmp0, $4  }
0xa9: {  	v0 =	vmul.f32 v0, v62  }
0xaa: {  	[tilespmem:s19+$0x9DF0] =	vst v53  }
0xab: {  	s18 =	sadd.s32 $0x200, s18;
	s20 =	sadd.s32 $0xB180, s19;
	s21 =	sadd.s32 $0x9D80, s19;
	[tilespmem:s19+$0xB1F0] =	vst v0  }
0xac: {  	[spmem:s1] =	stream.indirect.scatter.add.f32 [tilespmem:s20], [sflag:$0x1], $0x1, s21, s15, $0xb8;
	[tilespmem:$0xDBF8] =	vst v63  }
0xad: {  	_ =	swait.ge [sflag:s16], $0x80  }
0xae: {  	s18 =	simm.s32 $0x27;
	[sflag:s16] =	ssyncset.done $0x0  }
.LBB2_4:
0xaf: {  	p1 =	sne.s32 s18, $0x1;
	s18 =	sadd.s32 $0xFFFFFFFF, s18;
	[sflag:s16] =	ssyncadd.s32 $0xFFFFFF80  }
.Ltmp1:
0xb0: {  	(pc) =	sbr.rel @p1 .LBB2_4-.Ltmp1, $3  }
0xb1: {  	_ =	sdelay $0x1  }
0xb2: {  	_ =	swait.ge [sflag:s16], $0x80  }
0xb3: {  	[sflag:s16] =	ssyncset.done $0x0  }
0xb4: {  	[sflag:s16] =	ssyncadd.s32 $0xFFFFFF80;
	s18 =	simm.s32 @!p0 $0x1  }
0xb5: {  	s19 =	simm.s32 @!p0 $0x20;
	s20 =	simm.s32 @!p0 $0x10;
	s17 =	sadd.s32 $0x1, s17  }
0xb6: {  	s21 =	simm.s32 @!p0 $0x1C02;
	[bflag:$0x0] =	sbarrier.arrive $0xFFFF;
	p1 =	sne.s32 s17, s9  }
0xb7: {  	[hbm:s8@s19], [sflag:s21] =	dma.strided @!p0 [spmem:s10@s20], $0x4F0, s18, $0x10   }
.Ltmp2:
0xb8: {  	_ = 	snop;
	(pc) =	sbr.rel @p1 .LBB2_1-.Ltmp2, $4  }
0xb9: {  	s18 =	simm.s32 @!p0 $0x2  }
0xba: {  	_ =	swait.ge @!p0 [sflag:s18], $0x4F0  }
0xbb: {  	[sflag:s18] =	ssyncset.done @!p0 $0x0  }
0xbc: {  	[sflag:s18] =	ssyncadd.s32 @!p0 $0xFFFFFB10  }
0xbd: {  	_ =	sfence.sel $0x180000  }
0xbe: {  	[bflag:$0x0] =	sbarrier.arrive $0xFFFF  }
0xbf: {  	_ =	strace $0x90000047  }
0xc0: {  	s0 =	sadd.s32 @!p0 $0x100000, s0;
	[bflag:$0x2] =	sbarrier.arrive $0xFFFF  }
0xc1: {  	[sflag:s0] =	ssyncadd.tile.s32 @!p0 $0x1;
	_ =	shalt  }
.Lfunc_end2:
_tile_overlayer_lowered:
.L_overlay_start_2:
0xc2: {  	(tag) =	ssettag $0x2  }
0xc3: {  	s0 =	rddreg [dreg:$0x0];
	s2 =	stileid.u32  }
0xc4: {  	s1 =	rddreg [dreg:$0x1];
	p0 =	sne.s32 s2, $0x0  }
0xc5: {  	s3 =	rddreg [dreg:$0x2];
	[bflag:$0x3] =	sbarrier.arrive $0xFFFF;
	s2 =	simm.s32 @!p0 $0x1C02  }
0xc6: {  	[timem:s3], [sflag:s2] =	dma.local @!p0 [hbm:s0], s1  }
0xc7: {  	s0 =	simm.s32 @!p0 $0x2  }
0xc8: {  	_ =	swait.ge @!p0 [sflag:s0], s1  }
0xc9: {  	s1 =	ssub.s32 @!p0 $0x0, s1;
	[sflag:s0] =	ssyncset.done @!p0 $0x0  }
0xca: {  	[sflag:s0] =	ssyncadd.s32 @!p0 s1  }
0xcb: {  	[bflag:$0x3] =	sbarrier.arrive $0xFFFF  }
0xcc: {  	_ =	shalt  }

</sc_bundles>
